<compile_context>
chip_gen: v7x
topology: tpu7x:2x2x1
jax: 0.10.2.dev20260603
libtpu: 0.0.44.dev20260713+nightly
codegen_flags: <defaults>
</compile_context>

<pallas_src>
import functools

import jax
import jax.numpy as jnp
from jax import lax
from jax.experimental import pallas as pl
from jax.experimental.pallas import tpu as pltpu
from jax.experimental.pallas import tpu_sc as plsc

B, L, C = 8, 2048, 128
K, D = 1024, 32
BETA = 0.25
J = C // D
N = B * L * C // D
NR = B * L
RB = 512
GRID = NR // RB

def _vq_body(z_ref, cbt_ref, cb4_ref, c2_ref, iot_ref, w_ref,
             out8_ref, loss_ref, perp_ref,
             counts_acc, p4c, e4_s, xi_s, loss_acc):
    i = pl.program_id(0)

    @pl.when(i == 0)
    def _init():
        counts_acc[...] = jnp.zeros_like(counts_acc)
        loss_acc[0, 0] = 0.0
        p4 = lax.dot_general(cb4_ref[...], w_ref[...], (((1,), (0,)), ((), ())),
                             preferred_element_type=jnp.float32,
                             precision=lax.Precision.HIGHEST)
        hi = p4.astype(jnp.bfloat16).astype(jnp.float32)
        p4c[...] = jnp.concatenate([hi, p4 - hi], axis=1)

    z = z_ref[...]
    zz = z * z

    zc2 = lax.dot_general(z, cbt_ref[...], (((1,), (0,)), ((), ())),
                          preferred_element_type=jnp.float32,
                          precision=lax.Precision.DEFAULT)

    msum = jnp.zeros((RB, 1), jnp.float32)
    for j in range(J):
        z2j = jnp.sum(zz[:, j * D:(j + 1) * D], axis=1, keepdims=True)
        dj = (z2j + c2_ref[...]) + zc2[:, j * K:(j + 1) * K]
        m = jnp.min(dj, axis=1, keepdims=True)
        e4_s[:, j * K:(j + 1) * K] = (dj == m).astype(jnp.float32)
        msum = msum + m

    xi = lax.dot_general(e4_s[...], iot_ref[...], (((1,), (0,)), ((), ())),
                         preferred_element_type=jnp.float32,
                         precision=lax.Precision.DEFAULT)
    xi_s[...] = xi[:, 0:8]
    nhot = jnp.sum(xi[:, 8:16], axis=1, keepdims=True)
    tot = jnp.sum(nhot)

    @pl.when(tot != float(J * RB))
    def _fix_ties():
        iota = lax.broadcasted_iota(jnp.int32, (RB, K), 1)
        for j in range(J):
            z2j = jnp.sum(zz[:, j * D:(j + 1) * D], axis=1, keepdims=True)
            dj = (z2j + c2_ref[...]) + zc2[:, j * K:(j + 1) * K]
            m = jnp.min(dj, axis=1, keepdims=True)
            idxe = jnp.min(jnp.where(dj == m, iota, K), axis=1,
                           keepdims=True)
            e4_s[:, j * K:(j + 1) * K] = (iota == idxe).astype(jnp.float32)
            xi_s[:, j:j + 1] = idxe.astype(jnp.float32)
            xi_s[:, 4 + j:5 + j] = jnp.zeros((RB, 1), jnp.float32)

    e4 = e4_s[...]
    idxs = [xi_s[:, jj:jj + 1] + xi_s[:, 4 + jj:5 + jj] for jj in range(J)]

    ones_row = jnp.ones((8, RB), jnp.float32)
    csum4 = lax.dot_general(ones_row, e4, (((1,), (0,)), ((), ())),
                            preferred_element_type=jnp.float32,
                            precision=lax.Precision.DEFAULT)
    csum = (csum4[0:1, 0 * K:1 * K] + csum4[0:1, 1 * K:2 * K]
            + csum4[0:1, 2 * K:3 * K] + csum4[0:1, 3 * K:4 * K])

    xc = lax.dot_general(e4, p4c[...], (((1,), (0,)), ((), ())),
                         preferred_element_type=jnp.float32,
                         precision=lax.Precision.DEFAULT)
    xhat = xc[:, 0:3] + xc[:, 3:6]
    out8_ref[...] = jnp.concatenate(
        [xhat, jnp.zeros((RB, 1), jnp.float32)] + idxs, axis=1)

    loss_acc[0, 0] += jnp.sum(msum)
    counts_acc[...] += csum

    @pl.when(i == GRID - 1)
    def _final():
        total = loss_acc[0, 0]
        loss_ref[...] = jnp.full((1, 1), (1.0 + BETA) * total / (N * D),
                                 dtype=jnp.float32)
        probs = counts_acc[...] / N
        ent = jnp.sum(probs * jnp.log(probs + 1e-10), axis=1, keepdims=True)
        perp_ref[...] = jnp.exp(-ent)


_info = plsc.get_sparse_core_info()
NW = _info.num_cores * _info.num_subcores
BPW = N // NW
GCH = 128
_SC_MESH = plsc.VectorSubcoreMesh(core_axis_name="c", subcore_axis_name="s")


@functools.partial(
    pl.kernel, mesh=_SC_MESH,
    out_type=jax.ShapeDtypeStruct((N, D), jnp.float32),
    compiler_params=pltpu.CompilerParams(use_tc_tiling_on_sc=False),
    scratch_types=[
        pltpu.VMEM((BPW,), jnp.int32),
        pltpu.VMEM((BPW, D), jnp.float32),
        pltpu.SemaphoreType.DMA,
    ],
)
def _sc_gather(cb_hbm, idx_hbm, out_hbm, idx_v, rows_v, sem):
    wid = lax.axis_index("s") * _info.num_cores + lax.axis_index("c")
    base = wid * BPW
    pltpu.sync_copy(idx_hbm.at[pl.ds(base, BPW)], idx_v)
    copies = []
    for c in range(BPW // GCH):
        copies.append(pltpu.async_copy(
            cb_hbm.at[idx_v.at[pl.ds(c * GCH, GCH)]],
            rows_v.at[pl.ds(c * GCH, GCH)], sem))
    for cp in copies:
        cp.wait()
    pltpu.sync_copy(rows_v, out_hbm.at[pl.ds(base, BPW)])


@jax.jit
def kernel(z_e, codebook, W_dec):
    z4 = z_e.reshape(NR, C)
    c2 = jnp.sum(codebook ** 2, axis=1).reshape(1, K)
    zpad = jnp.zeros((K, D), jnp.float32)
    rows = []
    for j in range(J):
        rows.append(jnp.concatenate(
            [codebook if jj == j else zpad for jj in range(J)], axis=1))
    cb4 = jnp.concatenate(rows, axis=0)
    cbt = -2.0 * cb4.T
    karange = jnp.arange(K, dtype=jnp.float32)
    khi, klo = 8.0 * jnp.floor(karange / 8.0), jnp.mod(karange, 8.0)
    ocol = jnp.ones((K,), jnp.float32)
    zcol = jnp.zeros((K,), jnp.float32)
    iot = jnp.stack(
        [jnp.concatenate([khi if jj == j else zcol for jj in range(J)])
         for j in range(J)]
        + [jnp.concatenate([klo if jj == j else zcol for jj in range(J)])
           for j in range(J)]
        + [jnp.concatenate([ocol if jj == j else zcol for jj in range(J)])
           for j in range(J)]
        + [jnp.concatenate([zcol, zcol, zcol, zcol]) for _ in range(J)],
        axis=1)

    out8, loss, perp = pl.pallas_call(
        _vq_body,
        grid=(GRID,),
        in_specs=[
            pl.BlockSpec((RB, C), lambda i: (i, 0)),
            pl.BlockSpec((C, J * K), lambda i: (0, 0)),
            pl.BlockSpec((J * K, C), lambda i: (0, 0)),
            pl.BlockSpec((1, K), lambda i: (0, 0)),
            pl.BlockSpec((J * K, 16), lambda i: (0, 0)),
            pl.BlockSpec((C, 3), lambda i: (0, 0)),
        ],
        out_specs=[
            pl.BlockSpec((RB, 8), lambda i: (i, 0)),
            pl.BlockSpec((1, 1), lambda i: (0, 0)),
            pl.BlockSpec((1, 1), lambda i: (0, 0)),
        ],
        out_shape=[
            jax.ShapeDtypeStruct((NR, 8), jnp.float32),
            jax.ShapeDtypeStruct((1, 1), jnp.float32),
            jax.ShapeDtypeStruct((1, 1), jnp.float32),
        ],
        scratch_shapes=[
            pltpu.VMEM((1, K), jnp.float32),
            pltpu.VMEM((J * K, 6), jnp.float32),
            pltpu.VMEM((RB, J * K), jnp.float32),
            pltpu.VMEM((RB, 8), jnp.float32),
            pltpu.SMEM((1, 1), jnp.float32),
        ],
    )(z4, cbt, cb4, c2, iot, W_dec)

    idx_flat = out8[:, 4:8].astype(jnp.int32).reshape(N)
    zq_flat = _sc_gather(codebook, idx_flat)
    x_hat = out8[:, 0:3].reshape(B, L, 3)
    z_q = zq_flat.reshape(B, L, C)
    return x_hat, loss[0, 0], perp[0, 0], z_q

# --- scband reference (transcript-rebuilt; emitter-appended) ---
"""Pipeline reference for scband-vqvae-42090679501070 (READ-ONLY COPY).

The authoritative reference and input builder live on the scoring server;
editing this copy changes nothing except your own understanding.
"""

import jax, jax.numpy as jnp
import numpy as np

B, L, C = 8, 2048, 128
K, D = 1024, 32
BETA = 0.25

def setup_inputs(seed: int = 0) -> dict:
    key = jax.random.key(seed)
    k1, k2, k3 = jax.random.split(key, 3)
    z_e = jax.random.normal(k1, (B, L, C), dtype=jnp.float32)
    codebook = jax.random.normal(k2, (K, D), dtype=jnp.float32) * 0.1
    W_dec = jax.random.normal(k3, (C, 3), dtype=jnp.float32) * 0.02
    return {"z_e": z_e, "codebook": codebook, "W_dec": W_dec}


def _vector_quantize(z, codebook, beta):
    # z: [B, T, D] -> flatten to [N, D]
    Bq, T, Dd = z.shape
    z_flat = z.reshape(-1, Dd)
    # squared L2 distance to every codebook entry
    dist = (jnp.sum(z_flat ** 2, axis=1, keepdims=True)
            + jnp.sum(codebook ** 2, axis=1)[None, :]
            - 2.0 * (z_flat @ codebook.T))
    idx = jnp.argmin(dist, axis=1)
    # codebook gather (equivalent to one_hot @ codebook)
    z_q = jnp.take(codebook, idx, axis=0).reshape(Bq, T, Dd)
    # codebook loss + commitment loss
    loss = (jnp.mean((jax.lax.stop_gradient(z_q) - z) ** 2)
            + beta * jnp.mean((z_q - jax.lax.stop_gradient(z)) ** 2))
    # straight-through estimator
    z_q_st = z + jax.lax.stop_gradient(z_q - z)
    # perplexity of code usage
    counts = jnp.bincount(idx, length=codebook.shape[0]).astype(jnp.float32)
    probs = counts / z_flat.shape[0]
    perplexity = jnp.exp(-jnp.sum(probs * jnp.log(probs + 1e-10)))
    return loss, z_q_st, perplexity, idx


def reference(z_e, codebook, W_dec):
    Bq, Lq, Cq = z_e.shape
    # VQVAE.forward: z_e.reshape(B, 4*L, -1) before quantization
    z = z_e.reshape(Bq, 4 * Lq, Cq // 4)
    embedding_loss, z_q, perplexity, _ = _vector_quantize(z, codebook, BETA)
    z_q = z_q.reshape(Bq, Lq, Cq)
    # decoder stand-in for PN2.decode: linear projection to per-point offsets
    x_hat = z_q @ W_dec
    return x_hat, embedding_loss, perplexity, z_q

if __name__ == "__main__":
    import jax
    _d = setup_inputs()
    print(jax.jit(kernel)(*tuple(_d.values())))

</pallas_src>

<mosaic_0001>
#map = affine_map<(d0, d1) -> (0, 0)>
#map1 = affine_map<(d0, d1) -> (0)>
module attributes {stable_mosaic.version = 14 : i64} {
  func.func @_sc_gather(%arg0: i32, %arg1: i32, %arg2: memref<1024x32xf32, #tpu.memory_space<hbm>>, %arg3: memref<65536xi32, #tpu.memory_space<hbm>>, %arg4: memref<65536x32xf32, #tpu.memory_space<hbm>>, %arg5: memref<2048xi32, #tpu.memory_space<vmem>>, %arg6: memref<2048x32xf32, #tpu.memory_space<vmem>>, %arg7: memref<!tpu.dma_semaphore, #tpu.memory_space<semaphore_mem>>) attributes {dimension_semantics = [#tpu.dimension_semantics<core_parallel>, #tpu.dimension_semantics<subcore_parallel>], iteration_bounds = array<i64: 2, 16>, scalar_prefetch = 0 : i64, scratch_operands = 3 : i64, tpu.core_type = #tpu.core_type<sc_vector_subcore>, window_params = [{transform_indices = #map}, {transform_indices = #map1}, {transform_indices = #map}]} {
    %mul3A = arith.constant 2 : i32
    %mul3A_0 = arith.muli %arg1, %mul3A : i32
    %add3A = arith.addi %mul3A_0, %arg0 : i32
    %mul3A_1 = arith.constant 2048 : i32
    %mul3A_2 = arith.muli %add3A, %mul3A_1 : i32
    "tpu.region"() ({
      %run_scoped3A = tpu.sem_alloc : memref<!tpu.dma_semaphore, #tpu.memory_space<semaphore_mem>>
      %dma_start3A_257 = tpu.memref_slice %arg3[%mul3A_2] : memref<65536xi32, #tpu.memory_space<hbm>> -> memref<2048xi32, #tpu.memory_space<hbm>>
      %dma_start3A_258 = tpu.memref_slice %arg3[%mul3A_2] : memref<65536xi32, #tpu.memory_space<hbm>> -> memref<2048xi32, #tpu.memory_space<hbm>>
      tpu.enqueue_dma source(%dma_start3A_258 : memref<2048xi32, #tpu.memory_space<hbm>>) target(%arg5 : memref<2048xi32, #tpu.memory_space<vmem>>) target_semaphore(%run_scoped3A : memref<!tpu.dma_semaphore, #tpu.memory_space<semaphore_mem>>)
      %dma_wait3A_259 = tpu.memref_slice %arg3[%mul3A_2] : memref<65536xi32, #tpu.memory_space<hbm>> -> memref<2048xi32, #tpu.memory_space<hbm>>
      %dma_wait3A_260 = tpu.memref_slice %arg3[%mul3A_2] : memref<65536xi32, #tpu.memory_space<hbm>> -> memref<2048xi32, #tpu.memory_space<hbm>>
      tpu.wait_dma2 semaphore(%run_scoped3A : memref<!tpu.dma_semaphore, #tpu.memory_space<semaphore_mem>>) src(%dma_wait3A_260 : memref<2048xi32, #tpu.memory_space<hbm>>) dst(%arg5 : memref<2048xi32, #tpu.memory_space<vmem>>)
      tpu.yield
    }) : () -> ()
    %dma_start3A = arith.constant 0 : i32
    %dma_start3A_3 = arith.constant 0 : i32
    %dma_start3A_4 = tpu.memref_slice %arg6[%dma_start3A, %dma_start3A_3] : memref<2048x32xf32, #tpu.memory_space<vmem>> -> memref<128x32xf32, #tpu.memory_space<vmem>>
    %dma_start3A_5 = arith.constant 0 : i32
    %dma_start3A_6 = tpu.memref_slice %arg5[%dma_start3A_5] : memref<2048xi32, #tpu.memory_space<vmem>> -> memref<128xi32, #tpu.memory_space<vmem>>
    %dma_start3A_7 = arith.constant 0 : i32
    %dma_start3A_8 = arith.constant 0 : i32
    %dma_start3A_9 = tpu.memref_slice %arg2[%dma_start3A_7, %dma_start3A_8] : memref<1024x32xf32, #tpu.memory_space<hbm>> -> memref<1024x32xf32, #tpu.memory_space<hbm>>
    tpu.enqueue_indirect_dma source(%dma_start3A_9 : memref<1024x32xf32, #tpu.memory_space<hbm>>) target(%dma_start3A_4 : memref<128x32xf32, #tpu.memory_space<vmem>>) offsets(%dma_start3A_6 : memref<128xi32, #tpu.memory_space<vmem>>) semaphore(%arg7 : memref<!tpu.dma_semaphore, #tpu.memory_space<semaphore_mem>>)
    %dma_start3A_10 = arith.constant 128 : i32
    %dma_start3A_11 = arith.constant 0 : i32
    %dma_start3A_12 = tpu.memref_slice %arg6[%dma_start3A_10, %dma_start3A_11] : memref<2048x32xf32, #tpu.memory_space<vmem>> -> memref<128x32xf32, #tpu.memory_space<vmem>>
    %dma_start3A_13 = arith.constant 128 : i32
    %dma_start3A_14 = tpu.memref_slice %arg5[%dma_start3A_13] : memref<2048xi32, #tpu.memory_space<vmem>> -> memref<128xi32, #tpu.memory_space<vmem>>
    %dma_start3A_15 = arith.constant 0 : i32
    %dma_start3A_16 = arith.constant 0 : i32
    %dma_start3A_17 = tpu.memref_slice %arg2[%dma_start3A_15, %dma_start3A_16] : memref<1024x32xf32, #tpu.memory_space<hbm>> -> memref<1024x32xf32, #tpu.memory_space<hbm>>
    tpu.enqueue_indirect_dma source(%dma_start3A_17 : memref<1024x32xf32, #tpu.memory_space<hbm>>) target(%dma_start3A_12 : memref<128x32xf32, #tpu.memory_space<vmem>>) offsets(%dma_start3A_14 : memref<128xi32, #tpu.memory_space<vmem>>) semaphore(%arg7 : memref<!tpu.dma_semaphore, #tpu.memory_space<semaphore_mem>>)
    %dma_start3A_18 = arith.constant 256 : i32
    %dma_start3A_19 = arith.constant 0 : i32
    %dma_start3A_20 = tpu.memref_slice %arg6[%dma_start3A_18, %dma_start3A_19] : memref<2048x32xf32, #tpu.memory_space<vmem>> -> memref<128x32xf32, #tpu.memory_space<vmem>>
    %dma_start3A_21 = arith.constant 256 : i32
    %dma_start3A_22 = tpu.memref_slice %arg5[%dma_start3A_21] : memref<2048xi32, #tpu.memory_space<vmem>> -> memref<128xi32, #tpu.memory_space<vmem>>
    %dma_start3A_23 = arith.constant 0 : i32
    %dma_start3A_24 = arith.constant 0 : i32
    %dma_start3A_25 = tpu.memref_slice %arg2[%dma_start3A_23, %dma_start3A_24] : memref<1024x32xf32, #tpu.memory_space<hbm>> -> memref<1024x32xf32, #tpu.memory_space<hbm>>
    tpu.enqueue_indirect_dma source(%dma_start3A_25 : memref<1024x32xf32, #tpu.memory_space<hbm>>) target(%dma_start3A_20 : memref<128x32xf32, #tpu.memory_space<vmem>>) offsets(%dma_start3A_22 : memref<128xi32, #tpu.memory_space<vmem>>) semaphore(%arg7 : memref<!tpu.dma_semaphore, #tpu.memory_space<semaphore_mem>>)
    %dma_start3A_26 = arith.constant 384 : i32
    %dma_start3A_27 = arith.constant 0 : i32
    %dma_start3A_28 = tpu.memref_slice %arg6[%dma_start3A_26, %dma_start3A_27] : memref<2048x32xf32, #tpu.memory_space<vmem>> -> memref<128x32xf32, #tpu.memory_space<vmem>>
    %dma_start3A_29 = arith.constant 384 : i32
    %dma_start3A_30 = tpu.memref_slice %arg5[%dma_start3A_29] : memref<2048xi32, #tpu.memory_space<vmem>> -> memref<128xi32, #tpu.memory_space<vmem>>
    %dma_start3A_31 = arith.constant 0 : i32
    %dma_start3A_32 = arith.constant 0 : i32
    %dma_start3A_33 = tpu.memref_slice %arg2[%dma_start3A_31, %dma_start3A_32] : memref<1024x32xf32, #tpu.memory_space<hbm>> -> memref<1024x32xf32, #tpu.memory_space<hbm>>
    tpu.enqueue_indirect_dma source(%dma_start3A_33 : memref<1024x32xf32, #tpu.memory_space<hbm>>) target(%dma_start3A_28 : memref<128x32xf32, #tpu.memory_space<vmem>>) offsets(%dma_start3A_30 : memref<128xi32, #tpu.memory_space<vmem>>) semaphore(%arg7 : memref<!tpu.dma_semaphore, #tpu.memory_space<semaphore_mem>>)
    %dma_start3A_34 = arith.constant 512 : i32
    %dma_start3A_35 = arith.constant 0 : i32
    %dma_start3A_36 = tpu.memref_slice %arg6[%dma_start3A_34, %dma_start3A_35] : memref<2048x32xf32, #tpu.memory_space<vmem>> -> memref<128x32xf32, #tpu.memory_space<vmem>>
    %dma_start3A_37 = arith.constant 512 : i32
    %dma_start3A_38 = tpu.memref_slice %arg5[%dma_start3A_37] : memref<2048xi32, #tpu.memory_space<vmem>> -> memref<128xi32, #tpu.memory_space<vmem>>
    %dma_start3A_39 = arith.constant 0 : i32
    %dma_start3A_40 = arith.constant 0 : i32
    %dma_start3A_41 = tpu.memref_slice %arg2[%dma_start3A_39, %dma_start3A_40] : memref<1024x32xf32, #tpu.memory_space<hbm>> -> memref<1024x32xf32, #tpu.memory_space<hbm>>
    tpu.enqueue_indirect_dma source(%dma_start3A_41 : memref<1024x32xf32, #tpu.memory_space<hbm>>) target(%dma_start3A_36 : memref<128x32xf32, #tpu.memory_space<vmem>>) offsets(%dma_start3A_38 : memref<128xi32, #tpu.memory_space<vmem>>) semaphore(%arg7 : memref<!tpu.dma_semaphore, #tpu.memory_space<semaphore_mem>>)
    %dma_start3A_42 = arith.constant 640 : i32
    %dma_start3A_43 = arith.constant 0 : i32
    %dma_start3A_44 = tpu.memref_slice %arg6[%dma_start3A_42, %dma_start3A_43] : memref<2048x32xf32, #tpu.memory_space<vmem>> -> memref<128x32xf32, #tpu.memory_space<vmem>>
    %dma_start3A_45 = arith.constant 640 : i32
    %dma_start3A_46 = tpu.memref_slice %arg5[%dma_start3A_45] : memref<2048xi32, #tpu.memory_space<vmem>> -> memref<128xi32, #tpu.memory_space<vmem>>
    %dma_start3A_47 = arith.constant 0 : i32
    %dma_start3A_48 = arith.constant 0 : i32
    %dma_start3A_49 = tpu.memref_slice %arg2[%dma_start3A_47, %dma_start3A_48] : memref<1024x32xf32, #tpu.memory_space<hbm>> -> memref<1024x32xf32, #tpu.memory_space<hbm>>
    tpu.enqueue_indirect_dma source(%dma_start3A_49 : memref<1024x32xf32, #tpu.memory_space<hbm>>) target(%dma_start3A_44 : memref<128x32xf32, #tpu.memory_space<vmem>>) offsets(%dma_start3A_46 : memref<128xi32, #tpu.memory_space<vmem>>) semaphore(%arg7 : memref<!tpu.dma_semaphore, #tpu.memory_space<semaphore_mem>>)
    %dma_start3A_50 = arith.constant 768 : i32
    %dma_start3A_51 = arith.constant 0 : i32
    %dma_start3A_52 = tpu.memref_slice %arg6[%dma_start3A_50, %dma_start3A_51] : memref<2048x32xf32, #tpu.memory_space<vmem>> -> memref<128x32xf32, #tpu.memory_space<vmem>>
    %dma_start3A_53 = arith.constant 768 : i32
    %dma_start3A_54 = tpu.memref_slice %arg5[%dma_start3A_53] : memref<2048xi32, #tpu.memory_space<vmem>> -> memref<128xi32, #tpu.memory_space<vmem>>
    %dma_start3A_55 = arith.constant 0 : i32
    %dma_start3A_56 = arith.constant 0 : i32
    %dma_start3A_57 = tpu.memref_slice %arg2[%dma_start3A_55, %dma_start3A_56] : memref<1024x32xf32, #tpu.memory_space<hbm>> -> memref<1024x32xf32, #tpu.memory_space<hbm>>
    tpu.enqueue_indirect_dma source(%dma_start3A_57 : memref<1024x32xf32, #tpu.memory_space<hbm>>) target(%dma_start3A_52 : memref<128x32xf32, #tpu.memory_space<vmem>>) offsets(%dma_start3A_54 : memref<128xi32, #tpu.memory_space<vmem>>) semaphore(%arg7 : memref<!tpu.dma_semaphore, #tpu.memory_space<semaphore_mem>>)
    %dma_start3A_58 = arith.constant 896 : i32
    %dma_start3A_59 = arith.constant 0 : i32
    %dma_start3A_60 = tpu.memref_slice %arg6[%dma_start3A_58, %dma_start3A_59] : memref<2048x32xf32, #tpu.memory_space<vmem>> -> memref<128x32xf32, #tpu.memory_space<vmem>>
    %dma_start3A_61 = arith.constant 896 : i32
    %dma_start3A_62 = tpu.memref_slice %arg5[%dma_start3A_61] : memref<2048xi32, #tpu.memory_space<vmem>> -> memref<128xi32, #tpu.memory_space<vmem>>
    %dma_start3A_63 = arith.constant 0 : i32
    %dma_start3A_64 = arith.constant 0 : i32
    %dma_start3A_65 = tpu.memref_slice %arg2[%dma_start3A_63, %dma_start3A_64] : memref<1024x32xf32, #tpu.memory_space<hbm>> -> memref<1024x32xf32, #tpu.memory_space<hbm>>
    tpu.enqueue_indirect_dma source(%dma_start3A_65 : memref<1024x32xf32, #tpu.memory_space<hbm>>) target(%dma_start3A_60 : memref<128x32xf32, #tpu.memory_space<vmem>>) offsets(%dma_start3A_62 : memref<128xi32, #tpu.memory_space<vmem>>) semaphore(%arg7 : memref<!tpu.dma_semaphore, #tpu.memory_space<semaphore_mem>>)
    %dma_start3A_66 = arith.constant 1024 : i32
    %dma_start3A_67 = arith.constant 0 : i32
    %dma_start3A_68 = tpu.memref_slice %arg6[%dma_start3A_66, %dma_start3A_67] : memref<2048x32xf32, #tpu.memory_space<vmem>> -> memref<128x32xf32, #tpu.memory_space<vmem>>
    %dma_start3A_69 = arith.constant 1024 : i32
    %dma_start3A_70 = tpu.memref_slice %arg5[%dma_start3A_69] : memref<2048xi32, #tpu.memory_space<vmem>> -> memref<128xi32, #tpu.memory_space<vmem>>
    %dma_start3A_71 = arith.constant 0 : i32
    %dma_start3A_72 = arith.constant 0 : i32
    %dma_start3A_73 = tpu.memref_slice %arg2[%dma_start3A_71, %dma_start3A_72] : memref<1024x32xf32, #tpu.memory_space<hbm>> -> memref<1024x32xf32, #tpu.memory_space<hbm>>
    tpu.enqueue_indirect_dma source(%dma_start3A_73 : memref<1024x32xf32, #tpu.memory_space<hbm>>) target(%dma_start3A_68 : memref<128x32xf32, #tpu.memory_space<vmem>>) offsets(%dma_start3A_70 : memref<128xi32, #tpu.memory_space<vmem>>) semaphore(%arg7 : memref<!tpu.dma_semaphore, #tpu.memory_space<semaphore_mem>>)
    %dma_start3A_74 = arith.constant 1152 : i32
    %dma_start3A_75 = arith.constant 0 : i32
    %dma_start3A_76 = tpu.memref_slice %arg6[%dma_start3A_74, %dma_start3A_75] : memref<2048x32xf32, #tpu.memory_space<vmem>> -> memref<128x32xf32, #tpu.memory_space<vmem>>
    %dma_start3A_77 = arith.constant 1152 : i32
    %dma_start3A_78 = tpu.memref_slice %arg5[%dma_start3A_77] : memref<2048xi32, #tpu.memory_space<vmem>> -> memref<128xi32, #tpu.memory_space<vmem>>
    %dma_start3A_79 = arith.constant 0 : i32
    %dma_start3A_80 = arith.constant 0 : i32
    %dma_start3A_81 = tpu.memref_slice %arg2[%dma_start3A_79, %dma_start3A_80] : memref<1024x32xf32, #tpu.memory_space<hbm>> -> memref<1024x32xf32, #tpu.memory_space<hbm>>
    tpu.enqueue_indirect_dma source(%dma_start3A_81 : memref<1024x32xf32, #tpu.memory_space<hbm>>) target(%dma_start3A_76 : memref<128x32xf32, #tpu.memory_space<vmem>>) offsets(%dma_start3A_78 : memref<128xi32, #tpu.memory_space<vmem>>) semaphore(%arg7 : memref<!tpu.dma_semaphore, #tpu.memory_space<semaphore_mem>>)
    %dma_start3A_82 = arith.constant 1280 : i32
    %dma_start3A_83 = arith.constant 0 : i32
    %dma_start3A_84 = tpu.memref_slice %arg6[%dma_start3A_82, %dma_start3A_83] : memref<2048x32xf32, #tpu.memory_space<vmem>> -> memref<128x32xf32, #tpu.memory_space<vmem>>
    %dma_start3A_85 = arith.constant 1280 : i32
    %dma_start3A_86 = tpu.memref_slice %arg5[%dma_start3A_85] : memref<2048xi32, #tpu.memory_space<vmem>> -> memref<128xi32, #tpu.memory_space<vmem>>
    %dma_start3A_87 = arith.constant 0 : i32
    %dma_start3A_88 = arith.constant 0 : i32
    %dma_start3A_89 = tpu.memref_slice %arg2[%dma_start3A_87, %dma_start3A_88] : memref<1024x32xf32, #tpu.memory_space<hbm>> -> memref<1024x32xf32, #tpu.memory_space<hbm>>
    tpu.enqueue_indirect_dma source(%dma_start3A_89 : memref<1024x32xf32, #tpu.memory_space<hbm>>) target(%dma_start3A_84 : memref<128x32xf32, #tpu.memory_space<vmem>>) offsets(%dma_start3A_86 : memref<128xi32, #tpu.memory_space<vmem>>) semaphore(%arg7 : memref<!tpu.dma_semaphore, #tpu.memory_space<semaphore_mem>>)
    %dma_start3A_90 = arith.constant 1408 : i32
    %dma_start3A_91 = arith.constant 0 : i32
    %dma_start3A_92 = tpu.memref_slice %arg6[%dma_start3A_90, %dma_start3A_91] : memref<2048x32xf32, #tpu.memory_space<vmem>> -> memref<128x32xf32, #tpu.memory_space<vmem>>
    %dma_start3A_93 = arith.constant 1408 : i32
    %dma_start3A_94 = tpu.memref_slice %arg5[%dma_start3A_93] : memref<2048xi32, #tpu.memory_space<vmem>> -> memref<128xi32, #tpu.memory_space<vmem>>
    %dma_start3A_95 = arith.constant 0 : i32
    %dma_start3A_96 = arith.constant 0 : i32
    %dma_start3A_97 = tpu.memref_slice %arg2[%dma_start3A_95, %dma_start3A_96] : memref<1024x32xf32, #tpu.memory_space<hbm>> -> memref<1024x32xf32, #tpu.memory_space<hbm>>
    tpu.enqueue_indirect_dma source(%dma_start3A_97 : memref<1024x32xf32, #tpu.memory_space<hbm>>) target(%dma_start3A_92 : memref<128x32xf32, #tpu.memory_space<vmem>>) offsets(%dma_start3A_94 : memref<128xi32, #tpu.memory_space<vmem>>) semaphore(%arg7 : memref<!tpu.dma_semaphore, #tpu.memory_space<semaphore_mem>>)
    %dma_start3A_98 = arith.constant 1536 : i32
    %dma_start3A_99 = arith.constant 0 : i32
    %dma_start3A_100 = tpu.memref_slice %arg6[%dma_start3A_98, %dma_start3A_99] : memref<2048x32xf32, #tpu.memory_space<vmem>> -> memref<128x32xf32, #tpu.memory_space<vmem>>
    %dma_start3A_101 = arith.constant 1536 : i32
    %dma_start3A_102 = tpu.memref_slice %arg5[%dma_start3A_101] : memref<2048xi32, #tpu.memory_space<vmem>> -> memref<128xi32, #tpu.memory_space<vmem>>
    %dma_start3A_103 = arith.constant 0 : i32
    %dma_start3A_104 = arith.constant 0 : i32
    %dma_start3A_105 = tpu.memref_slice %arg2[%dma_start3A_103, %dma_start3A_104] : memref<1024x32xf32, #tpu.memory_space<hbm>> -> memref<1024x32xf32, #tpu.memory_space<hbm>>
    tpu.enqueue_indirect_dma source(%dma_start3A_105 : memref<1024x32xf32, #tpu.memory_space<hbm>>) target(%dma_start3A_100 : memref<128x32xf32, #tpu.memory_space<vmem>>) offsets(%dma_start3A_102 : memref<128xi32, #tpu.memory_space<vmem>>) semaphore(%arg7 : memref<!tpu.dma_semaphore, #tpu.memory_space<semaphore_mem>>)
    %dma_start3A_106 = arith.constant 1664 : i32
    %dma_start3A_107 = arith.constant 0 : i32
    %dma_start3A_108 = tpu.memref_slice %arg6[%dma_start3A_106, %dma_start3A_107] : memref<2048x32xf32, #tpu.memory_space<vmem>> -> memref<128x32xf32, #tpu.memory_space<vmem>>
    %dma_start3A_109 = arith.constant 1664 : i32
    %dma_start3A_110 = tpu.memref_slice %arg5[%dma_start3A_109] : memref<2048xi32, #tpu.memory_space<vmem>> -> memref<128xi32, #tpu.memory_space<vmem>>
    %dma_start3A_111 = arith.constant 0 : i32
    %dma_start3A_112 = arith.constant 0 : i32
    %dma_start3A_113 = tpu.memref_slice %arg2[%dma_start3A_111, %dma_start3A_112] : memref<1024x32xf32, #tpu.memory_space<hbm>> -> memref<1024x32xf32, #tpu.memory_space<hbm>>
    tpu.enqueue_indirect_dma source(%dma_start3A_113 : memref<1024x32xf32, #tpu.memory_space<hbm>>) target(%dma_start3A_108 : memref<128x32xf32, #tpu.memory_space<vmem>>) offsets(%dma_start3A_110 : memref<128xi32, #tpu.memory_space<vmem>>) semaphore(%arg7 : memref<!tpu.dma_semaphore, #tpu.memory_space<semaphore_mem>>)
    %dma_start3A_114 = arith.constant 1792 : i32
    %dma_start3A_115 = arith.constant 0 : i32
    %dma_start3A_116 = tpu.memref_slice %arg6[%dma_start3A_114, %dma_start3A_115] : memref<2048x32xf32, #tpu.memory_space<vmem>> -> memref<128x32xf32, #tpu.memory_space<vmem>>
    %dma_start3A_117 = arith.constant 1792 : i32
    %dma_start3A_118 = tpu.memref_slice %arg5[%dma_start3A_117] : memref<2048xi32, #tpu.memory_space<vmem>> -> memref<128xi32, #tpu.memory_space<vmem>>
    %dma_start3A_119 = arith.constant 0 : i32
    %dma_start3A_120 = arith.constant 0 : i32
    %dma_start3A_121 = tpu.memref_slice %arg2[%dma_start3A_119, %dma_start3A_120] : memref<1024x32xf32, #tpu.memory_space<hbm>> -> memref<1024x32xf32, #tpu.memory_space<hbm>>
    tpu.enqueue_indirect_dma source(%dma_start3A_121 : memref<1024x32xf32, #tpu.memory_space<hbm>>) target(%dma_start3A_116 : memref<128x32xf32, #tpu.memory_space<vmem>>) offsets(%dma_start3A_118 : memref<128xi32, #tpu.memory_space<vmem>>) semaphore(%arg7 : memref<!tpu.dma_semaphore, #tpu.memory_space<semaphore_mem>>)
    %dma_start3A_122 = arith.constant 1920 : i32
    %dma_start3A_123 = arith.constant 0 : i32
    %dma_start3A_124 = tpu.memref_slice %arg6[%dma_start3A_122, %dma_start3A_123] : memref<2048x32xf32, #tpu.memory_space<vmem>> -> memref<128x32xf32, #tpu.memory_space<vmem>>
    %dma_start3A_125 = arith.constant 1920 : i32
    %dma_start3A_126 = tpu.memref_slice %arg5[%dma_start3A_125] : memref<2048xi32, #tpu.memory_space<vmem>> -> memref<128xi32, #tpu.memory_space<vmem>>
    %dma_start3A_127 = arith.constant 0 : i32
    %dma_start3A_128 = arith.constant 0 : i32
    %dma_start3A_129 = tpu.memref_slice %arg2[%dma_start3A_127, %dma_start3A_128] : memref<1024x32xf32, #tpu.memory_space<hbm>> -> memref<1024x32xf32, #tpu.memory_space<hbm>>
    tpu.enqueue_indirect_dma source(%dma_start3A_129 : memref<1024x32xf32, #tpu.memory_space<hbm>>) target(%dma_start3A_124 : memref<128x32xf32, #tpu.memory_space<vmem>>) offsets(%dma_start3A_126 : memref<128xi32, #tpu.memory_space<vmem>>) semaphore(%arg7 : memref<!tpu.dma_semaphore, #tpu.memory_space<semaphore_mem>>)
    %dma_wait3A = arith.constant 0 : i32
    %dma_wait3A_130 = arith.constant 0 : i32
    %dma_wait3A_131 = tpu.memref_slice %arg6[%dma_wait3A, %dma_wait3A_130] : memref<2048x32xf32, #tpu.memory_space<vmem>> -> memref<128x32xf32, #tpu.memory_space<vmem>>
    %dma_wait3A_132 = arith.constant 0 : i32
    %dma_wait3A_133 = tpu.memref_slice %arg5[%dma_wait3A_132] : memref<2048xi32, #tpu.memory_space<vmem>> -> memref<128xi32, #tpu.memory_space<vmem>>
    %dma_wait3A_134 = arith.constant 0 : i32
    %dma_wait3A_135 = arith.constant 0 : i32
    %dma_wait3A_136 = tpu.memref_slice %arg2[%dma_wait3A_134, %dma_wait3A_135] : memref<1024x32xf32, #tpu.memory_space<hbm>> -> memref<1024x32xf32, #tpu.memory_space<hbm>>
    tpu.wait_indirect_dma semaphore(%arg7 : memref<!tpu.dma_semaphore, #tpu.memory_space<semaphore_mem>>) src(%dma_wait3A_136 : memref<1024x32xf32, #tpu.memory_space<hbm>>) dst(%dma_wait3A_131 : memref<128x32xf32, #tpu.memory_space<vmem>>)
    %dma_wait3A_137 = arith.constant 128 : i32
    %dma_wait3A_138 = arith.constant 0 : i32
    %dma_wait3A_139 = tpu.memref_slice %arg6[%dma_wait3A_137, %dma_wait3A_138] : memref<2048x32xf32, #tpu.memory_space<vmem>> -> memref<128x32xf32, #tpu.memory_space<vmem>>
    %dma_wait3A_140 = arith.constant 128 : i32
    %dma_wait3A_141 = tpu.memref_slice %arg5[%dma_wait3A_140] : memref<2048xi32, #tpu.memory_space<vmem>> -> memref<128xi32, #tpu.memory_space<vmem>>
    %dma_wait3A_142 = arith.constant 0 : i32
    %dma_wait3A_143 = arith.constant 0 : i32
    %dma_wait3A_144 = tpu.memref_slice %arg2[%dma_wait3A_142, %dma_wait3A_143] : memref<1024x32xf32, #tpu.memory_space<hbm>> -> memref<1024x32xf32, #tpu.memory_space<hbm>>
    tpu.wait_indirect_dma semaphore(%arg7 : memref<!tpu.dma_semaphore, #tpu.memory_space<semaphore_mem>>) src(%dma_wait3A_144 : memref<1024x32xf32, #tpu.memory_space<hbm>>) dst(%dma_wait3A_139 : memref<128x32xf32, #tpu.memory_space<vmem>>)
    %dma_wait3A_145 = arith.constant 256 : i32
    %dma_wait3A_146 = arith.constant 0 : i32
    %dma_wait3A_147 = tpu.memref_slice %arg6[%dma_wait3A_145, %dma_wait3A_146] : memref<2048x32xf32, #tpu.memory_space<vmem>> -> memref<128x32xf32, #tpu.memory_space<vmem>>
    %dma_wait3A_148 = arith.constant 256 : i32
    %dma_wait3A_149 = tpu.memref_slice %arg5[%dma_wait3A_148] : memref<2048xi32, #tpu.memory_space<vmem>> -> memref<128xi32, #tpu.memory_space<vmem>>
    %dma_wait3A_150 = arith.constant 0 : i32
    %dma_wait3A_151 = arith.constant 0 : i32
    %dma_wait3A_152 = tpu.memref_slice %arg2[%dma_wait3A_150, %dma_wait3A_151] : memref<1024x32xf32, #tpu.memory_space<hbm>> -> memref<1024x32xf32, #tpu.memory_space<hbm>>
    tpu.wait_indirect_dma semaphore(%arg7 : memref<!tpu.dma_semaphore, #tpu.memory_space<semaphore_mem>>) src(%dma_wait3A_152 : memref<1024x32xf32, #tpu.memory_space<hbm>>) dst(%dma_wait3A_147 : memref<128x32xf32, #tpu.memory_space<vmem>>)
    %dma_wait3A_153 = arith.constant 384 : i32
    %dma_wait3A_154 = arith.constant 0 : i32
    %dma_wait3A_155 = tpu.memref_slice %arg6[%dma_wait3A_153, %dma_wait3A_154] : memref<2048x32xf32, #tpu.memory_space<vmem>> -> memref<128x32xf32, #tpu.memory_space<vmem>>
    %dma_wait3A_156 = arith.constant 384 : i32
    %dma_wait3A_157 = tpu.memref_slice %arg5[%dma_wait3A_156] : memref<2048xi32, #tpu.memory_space<vmem>> -> memref<128xi32, #tpu.memory_space<vmem>>
    %dma_wait3A_158 = arith.constant 0 : i32
    %dma_wait3A_159 = arith.constant 0 : i32
    %dma_wait3A_160 = tpu.memref_slice %arg2[%dma_wait3A_158, %dma_wait3A_159] : memref<1024x32xf32, #tpu.memory_space<hbm>> -> memref<1024x32xf32, #tpu.memory_space<hbm>>
    tpu.wait_indirect_dma semaphore(%arg7 : memref<!tpu.dma_semaphore, #tpu.memory_space<semaphore_mem>>) src(%dma_wait3A_160 : memref<1024x32xf32, #tpu.memory_space<hbm>>) dst(%dma_wait3A_155 : memref<128x32xf32, #tpu.memory_space<vmem>>)
    %dma_wait3A_161 = arith.constant 512 : i32
    %dma_wait3A_162 = arith.constant 0 : i32
    %dma_wait3A_163 = tpu.memref_slice %arg6[%dma_wait3A_161, %dma_wait3A_162] : memref<2048x32xf32, #tpu.memory_space<vmem>> -> memref<128x32xf32, #tpu.memory_space<vmem>>
    %dma_wait3A_164 = arith.constant 512 : i32
    %dma_wait3A_165 = tpu.memref_slice %arg5[%dma_wait3A_164] : memref<2048xi32, #tpu.memory_space<vmem>> -> memref<128xi32, #tpu.memory_space<vmem>>
    %dma_wait3A_166 = arith.constant 0 : i32
    %dma_wait3A_167 = arith.constant 0 : i32
    %dma_wait3A_168 = tpu.memref_slice %arg2[%dma_wait3A_166, %dma_wait3A_167] : memref<1024x32xf32, #tpu.memory_space<hbm>> -> memref<1024x32xf32, #tpu.memory_space<hbm>>
    tpu.wait_indirect_dma semaphore(%arg7 : memref<!tpu.dma_semaphore, #tpu.memory_space<semaphore_mem>>) src(%dma_wait3A_168 : memref<1024x32xf32, #tpu.memory_space<hbm>>) dst(%dma_wait3A_163 : memref<128x32xf32, #tpu.memory_space<vmem>>)
    %dma_wait3A_169 = arith.constant 640 : i32
    %dma_wait3A_170 = arith.constant 0 : i32
    %dma_wait3A_171 = tpu.memref_slice %arg6[%dma_wait3A_169, %dma_wait3A_170] : memref<2048x32xf32, #tpu.memory_space<vmem>> -> memref<128x32xf32, #tpu.memory_space<vmem>>
    %dma_wait3A_172 = arith.constant 640 : i32
    %dma_wait3A_173 = tpu.memref_slice %arg5[%dma_wait3A_172] : memref<2048xi32, #tpu.memory_space<vmem>> -> memref<128xi32, #tpu.memory_space<vmem>>
    %dma_wait3A_174 = arith.constant 0 : i32
    %dma_wait3A_175 = arith.constant 0 : i32
    %dma_wait3A_176 = tpu.memref_slice %arg2[%dma_wait3A_174, %dma_wait3A_175] : memref<1024x32xf32, #tpu.memory_space<hbm>> -> memref<1024x32xf32, #tpu.memory_space<hbm>>
    tpu.wait_indirect_dma semaphore(%arg7 : memref<!tpu.dma_semaphore, #tpu.memory_space<semaphore_mem>>) src(%dma_wait3A_176 : memref<1024x32xf32, #tpu.memory_space<hbm>>) dst(%dma_wait3A_171 : memref<128x32xf32, #tpu.memory_space<vmem>>)
    %dma_wait3A_177 = arith.constant 768 : i32
    %dma_wait3A_178 = arith.constant 0 : i32
    %dma_wait3A_179 = tpu.memref_slice %arg6[%dma_wait3A_177, %dma_wait3A_178] : memref<2048x32xf32, #tpu.memory_space<vmem>> -> memref<128x32xf32, #tpu.memory_space<vmem>>
    %dma_wait3A_180 = arith.constant 768 : i32
    %dma_wait3A_181 = tpu.memref_slice %arg5[%dma_wait3A_180] : memref<2048xi32, #tpu.memory_space<vmem>> -> memref<128xi32, #tpu.memory_space<vmem>>
    %dma_wait3A_182 = arith.constant 0 : i32
    %dma_wait3A_183 = arith.constant 0 : i32
    %dma_wait3A_184 = tpu.memref_slice %arg2[%dma_wait3A_182, %dma_wait3A_183] : memref<1024x32xf32, #tpu.memory_space<hbm>> -> memref<1024x32xf32, #tpu.memory_space<hbm>>
    tpu.wait_indirect_dma semaphore(%arg7 : memref<!tpu.dma_semaphore, #tpu.memory_space<semaphore_mem>>) src(%dma_wait3A_184 : memref<1024x32xf32, #tpu.memory_space<hbm>>) dst(%dma_wait3A_179 : memref<128x32xf32, #tpu.memory_space<vmem>>)
    %dma_wait3A_185 = arith.constant 896 : i32
    %dma_wait3A_186 = arith.constant 0 : i32
    %dma_wait3A_187 = tpu.memref_slice %arg6[%dma_wait3A_185, %dma_wait3A_186] : memref<2048x32xf32, #tpu.memory_space<vmem>> -> memref<128x32xf32, #tpu.memory_space<vmem>>
    %dma_wait3A_188 = arith.constant 896 : i32
    %dma_wait3A_189 = tpu.memref_slice %arg5[%dma_wait3A_188] : memref<2048xi32, #tpu.memory_space<vmem>> -> memref<128xi32, #tpu.memory_space<vmem>>
    %dma_wait3A_190 = arith.constant 0 : i32
    %dma_wait3A_191 = arith.constant 0 : i32
    %dma_wait3A_192 = tpu.memref_slice %arg2[%dma_wait3A_190, %dma_wait3A_191] : memref<1024x32xf32, #tpu.memory_space<hbm>> -> memref<1024x32xf32, #tpu.memory_space<hbm>>
    tpu.wait_indirect_dma semaphore(%arg7 : memref<!tpu.dma_semaphore, #tpu.memory_space<semaphore_mem>>) src(%dma_wait3A_192 : memref<1024x32xf32, #tpu.memory_space<hbm>>) dst(%dma_wait3A_187 : memref<128x32xf32, #tpu.memory_space<vmem>>)
    %dma_wait3A_193 = arith.constant 1024 : i32
    %dma_wait3A_194 = arith.constant 0 : i32
    %dma_wait3A_195 = tpu.memref_slice %arg6[%dma_wait3A_193, %dma_wait3A_194] : memref<2048x32xf32, #tpu.memory_space<vmem>> -> memref<128x32xf32, #tpu.memory_space<vmem>>
    %dma_wait3A_196 = arith.constant 1024 : i32
    %dma_wait3A_197 = tpu.memref_slice %arg5[%dma_wait3A_196] : memref<2048xi32, #tpu.memory_space<vmem>> -> memref<128xi32, #tpu.memory_space<vmem>>
    %dma_wait3A_198 = arith.constant 0 : i32
    %dma_wait3A_199 = arith.constant 0 : i32
    %dma_wait3A_200 = tpu.memref_slice %arg2[%dma_wait3A_198, %dma_wait3A_199] : memref<1024x32xf32, #tpu.memory_space<hbm>> -> memref<1024x32xf32, #tpu.memory_space<hbm>>
    tpu.wait_indirect_dma semaphore(%arg7 : memref<!tpu.dma_semaphore, #tpu.memory_space<semaphore_mem>>) src(%dma_wait3A_200 : memref<1024x32xf32, #tpu.memory_space<hbm>>) dst(%dma_wait3A_195 : memref<128x32xf32, #tpu.memory_space<vmem>>)
    %dma_wait3A_201 = arith.constant 1152 : i32
    %dma_wait3A_202 = arith.constant 0 : i32
    %dma_wait3A_203 = tpu.memref_slice %arg6[%dma_wait3A_201, %dma_wait3A_202] : memref<2048x32xf32, #tpu.memory_space<vmem>> -> memref<128x32xf32, #tpu.memory_space<vmem>>
    %dma_wait3A_204 = arith.constant 1152 : i32
    %dma_wait3A_205 = tpu.memref_slice %arg5[%dma_wait3A_204] : memref<2048xi32, #tpu.memory_space<vmem>> -> memref<128xi32, #tpu.memory_space<vmem>>
    %dma_wait3A_206 = arith.constant 0 : i32
    %dma_wait3A_207 = arith.constant 0 : i32
    %dma_wait3A_208 = tpu.memref_slice %arg2[%dma_wait3A_206, %dma_wait3A_207] : memref<1024x32xf32, #tpu.memory_space<hbm>> -> memref<1024x32xf32, #tpu.memory_space<hbm>>
    tpu.wait_indirect_dma semaphore(%arg7 : memref<!tpu.dma_semaphore, #tpu.memory_space<semaphore_mem>>) src(%dma_wait3A_208 : memref<1024x32xf32, #tpu.memory_space<hbm>>) dst(%dma_wait3A_203 : memref<128x32xf32, #tpu.memory_space<vmem>>)
    %dma_wait3A_209 = arith.constant 1280 : i32
    %dma_wait3A_210 = arith.constant 0 : i32
    %dma_wait3A_211 = tpu.memref_slice %arg6[%dma_wait3A_209, %dma_wait3A_210] : memref<2048x32xf32, #tpu.memory_space<vmem>> -> memref<128x32xf32, #tpu.memory_space<vmem>>
    %dma_wait3A_212 = arith.constant 1280 : i32
    %dma_wait3A_213 = tpu.memref_slice %arg5[%dma_wait3A_212] : memref<2048xi32, #tpu.memory_space<vmem>> -> memref<128xi32, #tpu.memory_space<vmem>>
    %dma_wait3A_214 = arith.constant 0 : i32
    %dma_wait3A_215 = arith.constant 0 : i32
    %dma_wait3A_216 = tpu.memref_slice %arg2[%dma_wait3A_214, %dma_wait3A_215] : memref<1024x32xf32, #tpu.memory_space<hbm>> -> memref<1024x32xf32, #tpu.memory_space<hbm>>
    tpu.wait_indirect_dma semaphore(%arg7 : memref<!tpu.dma_semaphore, #tpu.memory_space<semaphore_mem>>) src(%dma_wait3A_216 : memref<1024x32xf32, #tpu.memory_space<hbm>>) dst(%dma_wait3A_211 : memref<128x32xf32, #tpu.memory_space<vmem>>)
    %dma_wait3A_217 = arith.constant 1408 : i32
    %dma_wait3A_218 = arith.constant 0 : i32
    %dma_wait3A_219 = tpu.memref_slice %arg6[%dma_wait3A_217, %dma_wait3A_218] : memref<2048x32xf32, #tpu.memory_space<vmem>> -> memref<128x32xf32, #tpu.memory_space<vmem>>
    %dma_wait3A_220 = arith.constant 1408 : i32
    %dma_wait3A_221 = tpu.memref_slice %arg5[%dma_wait3A_220] : memref<2048xi32, #tpu.memory_space<vmem>> -> memref<128xi32, #tpu.memory_space<vmem>>
    %dma_wait3A_222 = arith.constant 0 : i32
    %dma_wait3A_223 = arith.constant 0 : i32
    %dma_wait3A_224 = tpu.memref_slice %arg2[%dma_wait3A_222, %dma_wait3A_223] : memref<1024x32xf32, #tpu.memory_space<hbm>> -> memref<1024x32xf32, #tpu.memory_space<hbm>>
    tpu.wait_indirect_dma semaphore(%arg7 : memref<!tpu.dma_semaphore, #tpu.memory_space<semaphore_mem>>) src(%dma_wait3A_224 : memref<1024x32xf32, #tpu.memory_space<hbm>>) dst(%dma_wait3A_219 : memref<128x32xf32, #tpu.memory_space<vmem>>)
    %dma_wait3A_225 = arith.constant 1536 : i32
    %dma_wait3A_226 = arith.constant 0 : i32
    %dma_wait3A_227 = tpu.memref_slice %arg6[%dma_wait3A_225, %dma_wait3A_226] : memref<2048x32xf32, #tpu.memory_space<vmem>> -> memref<128x32xf32, #tpu.memory_space<vmem>>
    %dma_wait3A_228 = arith.constant 1536 : i32
    %dma_wait3A_229 = tpu.memref_slice %arg5[%dma_wait3A_228] : memref<2048xi32, #tpu.memory_space<vmem>> -> memref<128xi32, #tpu.memory_space<vmem>>
    %dma_wait3A_230 = arith.constant 0 : i32
    %dma_wait3A_231 = arith.constant 0 : i32
    %dma_wait3A_232 = tpu.memref_slice %arg2[%dma_wait3A_230, %dma_wait3A_231] : memref<1024x32xf32, #tpu.memory_space<hbm>> -> memref<1024x32xf32, #tpu.memory_space<hbm>>
    tpu.wait_indirect_dma semaphore(%arg7 : memref<!tpu.dma_semaphore, #tpu.memory_space<semaphore_mem>>) src(%dma_wait3A_232 : memref<1024x32xf32, #tpu.memory_space<hbm>>) dst(%dma_wait3A_227 : memref<128x32xf32, #tpu.memory_space<vmem>>)
    %dma_wait3A_233 = arith.constant 1664 : i32
    %dma_wait3A_234 = arith.constant 0 : i32
    %dma_wait3A_235 = tpu.memref_slice %arg6[%dma_wait3A_233, %dma_wait3A_234] : memref<2048x32xf32, #tpu.memory_space<vmem>> -> memref<128x32xf32, #tpu.memory_space<vmem>>
    %dma_wait3A_236 = arith.constant 1664 : i32
    %dma_wait3A_237 = tpu.memref_slice %arg5[%dma_wait3A_236] : memref<2048xi32, #tpu.memory_space<vmem>> -> memref<128xi32, #tpu.memory_space<vmem>>
    %dma_wait3A_238 = arith.constant 0 : i32
    %dma_wait3A_239 = arith.constant 0 : i32
    %dma_wait3A_240 = tpu.memref_slice %arg2[%dma_wait3A_238, %dma_wait3A_239] : memref<1024x32xf32, #tpu.memory_space<hbm>> -> memref<1024x32xf32, #tpu.memory_space<hbm>>
    tpu.wait_indirect_dma semaphore(%arg7 : memref<!tpu.dma_semaphore, #tpu.memory_space<semaphore_mem>>) src(%dma_wait3A_240 : memref<1024x32xf32, #tpu.memory_space<hbm>>) dst(%dma_wait3A_235 : memref<128x32xf32, #tpu.memory_space<vmem>>)
    %dma_wait3A_241 = arith.constant 1792 : i32
    %dma_wait3A_242 = arith.constant 0 : i32
    %dma_wait3A_243 = tpu.memref_slice %arg6[%dma_wait3A_241, %dma_wait3A_242] : memref<2048x32xf32, #tpu.memory_space<vmem>> -> memref<128x32xf32, #tpu.memory_space<vmem>>
    %dma_wait3A_244 = arith.constant 1792 : i32
    %dma_wait3A_245 = tpu.memref_slice %arg5[%dma_wait3A_244] : memref<2048xi32, #tpu.memory_space<vmem>> -> memref<128xi32, #tpu.memory_space<vmem>>
    %dma_wait3A_246 = arith.constant 0 : i32
    %dma_wait3A_247 = arith.constant 0 : i32
    %dma_wait3A_248 = tpu.memref_slice %arg2[%dma_wait3A_246, %dma_wait3A_247] : memref<1024x32xf32, #tpu.memory_space<hbm>> -> memref<1024x32xf32, #tpu.memory_space<hbm>>
    tpu.wait_indirect_dma semaphore(%arg7 : memref<!tpu.dma_semaphore, #tpu.memory_space<semaphore_mem>>) src(%dma_wait3A_248 : memref<1024x32xf32, #tpu.memory_space<hbm>>) dst(%dma_wait3A_243 : memref<128x32xf32, #tpu.memory_space<vmem>>)
    %dma_wait3A_249 = arith.constant 1920 : i32
    %dma_wait3A_250 = arith.constant 0 : i32
    %dma_wait3A_251 = tpu.memref_slice %arg6[%dma_wait3A_249, %dma_wait3A_250] : memref<2048x32xf32, #tpu.memory_space<vmem>> -> memref<128x32xf32, #tpu.memory_space<vmem>>
    %dma_wait3A_252 = arith.constant 1920 : i32
    %dma_wait3A_253 = tpu.memref_slice %arg5[%dma_wait3A_252] : memref<2048xi32, #tpu.memory_space<vmem>> -> memref<128xi32, #tpu.memory_space<vmem>>
    %dma_wait3A_254 = arith.constant 0 : i32
    %dma_wait3A_255 = arith.constant 0 : i32
    %dma_wait3A_256 = tpu.memref_slice %arg2[%dma_wait3A_254, %dma_wait3A_255] : memref<1024x32xf32, #tpu.memory_space<hbm>> -> memref<1024x32xf32, #tpu.memory_space<hbm>>
    tpu.wait_indirect_dma semaphore(%arg7 : memref<!tpu.dma_semaphore, #tpu.memory_space<semaphore_mem>>) src(%dma_wait3A_256 : memref<1024x32xf32, #tpu.memory_space<hbm>>) dst(%dma_wait3A_251 : memref<128x32xf32, #tpu.memory_space<vmem>>)
    "tpu.region"() ({
      %run_scoped3A = tpu.sem_alloc : memref<!tpu.dma_semaphore, #tpu.memory_space<semaphore_mem>>
      %dma_start3A_257 = arith.constant 0 : i32
      %dma_start3A_258 = tpu.memref_slice %arg4[%mul3A_2, %dma_start3A_257] : memref<65536x32xf32, #tpu.memory_space<hbm>> -> memref<2048x32xf32, #tpu.memory_space<hbm>>
      %dma_start3A_259 = arith.constant 0 : i32
      %dma_start3A_260 = tpu.memref_slice %arg4[%mul3A_2, %dma_start3A_259] : memref<65536x32xf32, #tpu.memory_space<hbm>> -> memref<2048x32xf32, #tpu.memory_space<hbm>>
      tpu.enqueue_dma source(%arg6 : memref<2048x32xf32, #tpu.memory_space<vmem>>) target(%dma_start3A_260 : memref<2048x32xf32, #tpu.memory_space<hbm>>) target_semaphore(%run_scoped3A : memref<!tpu.dma_semaphore, #tpu.memory_space<semaphore_mem>>)
      %dma_wait3A_261 = arith.constant 0 : i32
      %dma_wait3A_262 = tpu.memref_slice %arg4[%mul3A_2, %dma_wait3A_261] : memref<65536x32xf32, #tpu.memory_space<hbm>> -> memref<2048x32xf32, #tpu.memory_space<hbm>>
      %dma_wait3A_263 = arith.constant 0 : i32
      %dma_wait3A_264 = tpu.memref_slice %arg4[%mul3A_2, %dma_wait3A_263] : memref<65536x32xf32, #tpu.memory_space<hbm>> -> memref<2048x32xf32, #tpu.memory_space<hbm>>
      tpu.wait_dma2 semaphore(%run_scoped3A : memref<!tpu.dma_semaphore, #tpu.memory_space<semaphore_mem>>) src(%arg6 : memref<2048x32xf32, #tpu.memory_space<vmem>>) dst(%dma_wait3A_264 : memref<2048x32xf32, #tpu.memory_space<hbm>>)
      tpu.yield
    }) : () -> ()
    return
  }
}

module attributes {stable_mosaic.version = 14 : i64} {
  func.func @_vq_body(%arg0: i32, %arg1: memref<512x128xf32, #tpu.memory_space<vmem>>, %arg2: memref<128x4096xf32, #tpu.memory_space<vmem>>, %arg3: memref<4096x128xf32, #tpu.memory_space<vmem>>, %arg4: memref<1x1024xf32, #tpu.memory_space<vmem>>, %arg5: memref<4096x16xf32, #tpu.memory_space<vmem>>, %arg6: memref<128x3xf32, #tpu.memory_space<vmem>>, %arg7: memref<512x8xf32, #tpu.memory_space<vmem>>, %arg8: memref<1x1xf32, #tpu.memory_space<vmem>>, %arg9: memref<1x1xf32, #tpu.memory_space<vmem>>, %arg10: memref<1x1024xf32, #tpu.memory_space<vmem>>, %arg11: memref<4096x6xf32, #tpu.memory_space<vmem>>, %arg12: memref<512x4096xf32, #tpu.memory_space<vmem>>, %arg13: memref<512x8xf32, #tpu.memory_space<vmem>>, %arg14: memref<1x1xf32, #tpu.memory_space<smem>>) attributes {dimension_semantics = [#tpu.dimension_semantics<arbitrary>], iteration_bounds = array<i64: 32>, scalar_prefetch = 0 : i64, scratch_operands = 5 : i64, tpu.core_type = #tpu.core_type<tc>, window_params = [{transform_indices = @transform_0, window_bounds = array<i64: 512, 128>}, {pipeline_mode = #tpu.pipeline_mode<synchronous>, transform_indices = @transform_1, window_bounds = array<i64: 128, 4096>}, {pipeline_mode = #tpu.pipeline_mode<synchronous>, transform_indices = @transform_2, window_bounds = array<i64: 4096, 128>}, {pipeline_mode = #tpu.pipeline_mode<synchronous>, transform_indices = @transform_3, window_bounds = array<i64: 1, 1024>}, {pipeline_mode = #tpu.pipeline_mode<synchronous>, transform_indices = @transform_4, window_bounds = array<i64: 4096, 16>}, {pipeline_mode = #tpu.pipeline_mode<synchronous>, transform_indices = @transform_5, window_bounds = array<i64: 128, 3>}, {transform_indices = @transform_6, window_bounds = array<i64: 512, 8>}, {pipeline_mode = #tpu.pipeline_mode<synchronous>, transform_indices = @transform_7, window_bounds = array<i64: 1, 1>}, {pipeline_mode = #tpu.pipeline_mode<synchronous>, transform_indices = @transform_8, window_bounds = array<i64: 1, 1>}]} {
    %eq3A = arith.constant 0 : i32
    %eq3A_0 = arith.cmpi eq, %arg0, %eq3A : i32
    %convert_element_type3A = arith.extui %eq3A_0 : i1 to i32
    %cond3A = arith.constant 0 : i32
    %cond3A_1 = arith.cmpi ne, %convert_element_type3A, %cond3A : i32
    scf.if %cond3A_1 {
      %broadcast_in_dim3A_200 = arith.constant 0.000000e+00 : f32
      %broadcast_in_dim3A_201 = vector.broadcast %broadcast_in_dim3A_200 : f32 to vector<1x1024xf32>
      %swap3A_202 = arith.constant 0 : index
      %swap3A_203 = arith.constant 0 : index
      %swap3A_204 = vector.load %arg10[%swap3A_202, %swap3A_203] : memref<1x1024xf32, #tpu.memory_space<vmem>>, vector<1x1024xf32>
      tpu.vector_store %arg10[%swap3A_202, %swap3A_203], %broadcast_in_dim3A_201 {strides = array<i32>} : memref<1x1024xf32, #tpu.memory_space<vmem>>, vector<1x1024xf32>,
      %swap3A_205 = arith.constant 0.000000e+00 : f32
      %swap3A_206 = arith.constant 0 : index
      %swap3A_207 = arith.constant 0 : index
      %swap3A_208 = memref.load %arg14[%swap3A_206, %swap3A_207] : memref<1x1xf32, #tpu.memory_space<smem>>
      memref.store %swap3A_205, %arg14[%swap3A_206, %swap3A_207] : memref<1x1xf32, #tpu.memory_space<smem>>
      %get3A_209 = arith.constant 0 : index
      %get3A_210 = arith.constant 0 : index
      %get3A_211 = vector.load %arg3[%get3A_209, %get3A_210] : memref<4096x128xf32, #tpu.memory_space<vmem>>, vector<4096x128xf32>
      %get3A_212 = arith.constant 0 : index
      %get3A_213 = arith.constant 0 : index
      %get3A_214 = vector.load %arg6[%get3A_212, %get3A_213] : memref<128x3xf32, #tpu.memory_space<vmem>>, vector<128x3xf32>
      %dot_general3A_215 = arith.constant dense<0.000000e+00> : vector<4096x3xf32>
      %dot_general3A_216 = tpu.matmul %get3A_211, %get3A_214, %dot_general3A_215 {dimension_numbers = #tpu.dot_dimension_numbers<[1], [0], [0], [1], [0, 0, 1, 1], [], []>, precision = #tpu.contract_precision<fp32>, transpose_lhs_hint = false} : vector<4096x128xf32>, vector<128x3xf32>, vector<4096x3xf32> -> vector<4096x3xf32>
      %convert_element_type3A_217 = arith.truncf %dot_general3A_216 : vector<4096x3xf32> to vector<4096x3xbf16>
      %convert_element_type3A_218 = arith.extf %convert_element_type3A_217 : vector<4096x3xbf16> to vector<4096x3xf32>
      %sub3A = arith.subf %dot_general3A_216, %convert_element_type3A_218 : vector<4096x3xf32>
      %concatenate3A_219 = tpu.concatenate %convert_element_type3A_218, %sub3A in 1 : vector<4096x3xf32>, vector<4096x3xf32> -> vector<4096x6xf32>
      %swap3A_220 = arith.constant 0 : index
      %swap3A_221 = arith.constant 0 : index
      %swap3A_222 = vector.load %arg11[%swap3A_220, %swap3A_221] : memref<4096x6xf32, #tpu.memory_space<vmem>>, vector<4096x6xf32>
      tpu.vector_store %arg11[%swap3A_220, %swap3A_221], %concatenate3A_219 {strides = array<i32>} : memref<4096x6xf32, #tpu.memory_space<vmem>>, vector<4096x6xf32>,
    } else {
    }
    %get3A = arith.constant 0 : index
    %get3A_2 = arith.constant 0 : index
    %get3A_3 = vector.load %arg1[%get3A, %get3A_2] : memref<512x128xf32, #tpu.memory_space<vmem>>, vector<512x128xf32>
    %mul3A = arith.mulf %get3A_3, %get3A_3 : vector<512x128xf32>
    %get3A_4 = arith.constant 0 : index
    %get3A_5 = arith.constant 0 : index
    %get3A_6 = vector.load %arg2[%get3A_4, %get3A_5] : memref<128x4096xf32, #tpu.memory_space<vmem>>, vector<128x4096xf32>
    %dot_general3A = arith.constant dense<0.000000e+00> : vector<512x4096xf32>
    %dot_general3A_7 = tpu.matmul %get3A_3, %get3A_6, %dot_general3A {dimension_numbers = #tpu.dot_dimension_numbers<[1], [0], [0], [1], [0, 0, 1, 1], [], []>, transpose_lhs_hint = false} : vector<512x128xf32>, vector<128x4096xf32>, vector<512x4096xf32> -> vector<512x4096xf32>
    %broadcast_in_dim3A = arith.constant 0.000000e+00 : f32
    %broadcast_in_dim3A_8 = vector.broadcast %broadcast_in_dim3A : f32 to vector<512x1xf32>
    %slice3A = vector.extract_strided_slice %mul3A {offsets = [0, 0], sizes = [512, 32], strides = [1, 1]} : vector<512x128xf32> to vector<512x32xf32>
    %reduce_sum3A = arith.constant dense<0.000000e+00> : vector<512xf32>
    %reduce_sum3A_9 = vector.multi_reduction <add>, %slice3A, %reduce_sum3A [1] : vector<512x32xf32> to vector<512xf32>
    %broadcast_in_dim3A_10 = vector.shape_cast %reduce_sum3A_9 : vector<512xf32> to vector<512x1xf32>
    %get3A_11 = arith.constant 0 : index
    %get3A_12 = arith.constant 0 : index
    %get3A_13 = vector.load %arg4[%get3A_11, %get3A_12] : memref<1x1024xf32, #tpu.memory_space<vmem>>, vector<1x1024xf32>
    %add3A = vector.broadcast %broadcast_in_dim3A_10 : vector<512x1xf32> to vector<512x1024xf32>
    %add3A_14 = vector.broadcast %get3A_13 : vector<1x1024xf32> to vector<512x1024xf32>
    %add3A_15 = arith.addf %add3A, %add3A_14 : vector<512x1024xf32>
    %slice3A_16 = vector.extract_strided_slice %dot_general3A_7 {offsets = [0, 0], sizes = [512, 1024], strides = [1, 1]} : vector<512x4096xf32> to vector<512x1024xf32>
    %add3A_17 = arith.addf %add3A_15, %slice3A_16 : vector<512x1024xf32>
    %reduce_min3A = arith.constant dense<0x7F800000> : vector<512xf32>
    %reduce_min3A_18 = vector.multi_reduction <minimumf>, %add3A_17, %reduce_min3A [1] : vector<512x1024xf32> to vector<512xf32>
    %broadcast_in_dim3A_19 = vector.shape_cast %reduce_min3A_18 : vector<512xf32> to vector<512x1xf32>
    %eq3A_20 = vector.broadcast %broadcast_in_dim3A_19 : vector<512x1xf32> to vector<512x1024xf32>
    %eq3A_21 = arith.cmpf oeq, %add3A_17, %eq3A_20 : vector<512x1024xf32>
    %convert_element_type3A_22 = arith.extui %eq3A_21 : vector<512x1024xi1> to vector<512x1024xi32>
    %convert_element_type3A_23 = arith.sitofp %convert_element_type3A_22 : vector<512x1024xi32> to vector<512x1024xf32>
    %swap3A = arith.constant 0 : index
    %swap3A_24 = arith.constant 0 : index
    %swap3A_25 = vector.load %arg12[%swap3A, %swap3A_24] : memref<512x4096xf32, #tpu.memory_space<vmem>>, vector<512x1024xf32>
    tpu.vector_store %arg12[%swap3A, %swap3A_24], %convert_element_type3A_23 {strides = array<i32>} : memref<512x4096xf32, #tpu.memory_space<vmem>>, vector<512x1024xf32>,
    %add3A_26 = arith.addf %broadcast_in_dim3A_8, %broadcast_in_dim3A_19 : vector<512x1xf32>
    %slice3A_27 = vector.extract_strided_slice %mul3A {offsets = [0, 32], sizes = [512, 32], strides = [1, 1]} : vector<512x128xf32> to vector<512x32xf32>
    %reduce_sum3A_28 = arith.constant dense<0.000000e+00> : vector<512xf32>
    %reduce_sum3A_29 = vector.multi_reduction <add>, %slice3A_27, %reduce_sum3A_28 [1] : vector<512x32xf32> to vector<512xf32>
    %broadcast_in_dim3A_30 = vector.shape_cast %reduce_sum3A_29 : vector<512xf32> to vector<512x1xf32>
    %get3A_31 = arith.constant 0 : index
    %get3A_32 = arith.constant 0 : index
    %get3A_33 = vector.load %arg4[%get3A_31, %get3A_32] : memref<1x1024xf32, #tpu.memory_space<vmem>>, vector<1x1024xf32>
    %add3A_34 = vector.broadcast %broadcast_in_dim3A_30 : vector<512x1xf32> to vector<512x1024xf32>
    %add3A_35 = vector.broadcast %get3A_33 : vector<1x1024xf32> to vector<512x1024xf32>
    %add3A_36 = arith.addf %add3A_34, %add3A_35 : vector<512x1024xf32>
    %slice3A_37 = vector.extract_strided_slice %dot_general3A_7 {offsets = [0, 1024], sizes = [512, 1024], strides = [1, 1]} : vector<512x4096xf32> to vector<512x1024xf32>
    %add3A_38 = arith.addf %add3A_36, %slice3A_37 : vector<512x1024xf32>
    %reduce_min3A_39 = arith.constant dense<0x7F800000> : vector<512xf32>
    %reduce_min3A_40 = vector.multi_reduction <minimumf>, %add3A_38, %reduce_min3A_39 [1] : vector<512x1024xf32> to vector<512xf32>
    %broadcast_in_dim3A_41 = vector.shape_cast %reduce_min3A_40 : vector<512xf32> to vector<512x1xf32>
    %eq3A_42 = vector.broadcast %broadcast_in_dim3A_41 : vector<512x1xf32> to vector<512x1024xf32>
    %eq3A_43 = arith.cmpf oeq, %add3A_38, %eq3A_42 : vector<512x1024xf32>
    %convert_element_type3A_44 = arith.extui %eq3A_43 : vector<512x1024xi1> to vector<512x1024xi32>
    %convert_element_type3A_45 = arith.sitofp %convert_element_type3A_44 : vector<512x1024xi32> to vector<512x1024xf32>
    %swap3A_46 = arith.constant 0 : index
    %swap3A_47 = arith.constant 1024 : index
    %swap3A_48 = vector.load %arg12[%swap3A_46, %swap3A_47] : memref<512x4096xf32, #tpu.memory_space<vmem>>, vector<512x1024xf32>
    tpu.vector_store %arg12[%swap3A_46, %swap3A_47], %convert_element_type3A_45 {strides = array<i32>} : memref<512x4096xf32, #tpu.memory_space<vmem>>, vector<512x1024xf32>,
    %add3A_49 = arith.addf %add3A_26, %broadcast_in_dim3A_41 : vector<512x1xf32>
    %slice3A_50 = vector.extract_strided_slice %mul3A {offsets = [0, 64], sizes = [512, 32], strides = [1, 1]} : vector<512x128xf32> to vector<512x32xf32>
    %reduce_sum3A_51 = arith.constant dense<0.000000e+00> : vector<512xf32>
    %reduce_sum3A_52 = vector.multi_reduction <add>, %slice3A_50, %reduce_sum3A_51 [1] : vector<512x32xf32> to vector<512xf32>
    %broadcast_in_dim3A_53 = vector.shape_cast %reduce_sum3A_52 : vector<512xf32> to vector<512x1xf32>
    %get3A_54 = arith.constant 0 : index
    %get3A_55 = arith.constant 0 : index
    %get3A_56 = vector.load %arg4[%get3A_54, %get3A_55] : memref<1x1024xf32, #tpu.memory_space<vmem>>, vector<1x1024xf32>
    %add3A_57 = vector.broadcast %broadcast_in_dim3A_53 : vector<512x1xf32> to vector<512x1024xf32>
    %add3A_58 = vector.broadcast %get3A_56 : vector<1x1024xf32> to vector<512x1024xf32>
    %add3A_59 = arith.addf %add3A_57, %add3A_58 : vector<512x1024xf32>
    %slice3A_60 = vector.extract_strided_slice %dot_general3A_7 {offsets = [0, 2048], sizes = [512, 1024], strides = [1, 1]} : vector<512x4096xf32> to vector<512x1024xf32>
    %add3A_61 = arith.addf %add3A_59, %slice3A_60 : vector<512x1024xf32>
    %reduce_min3A_62 = arith.constant dense<0x7F800000> : vector<512xf32>
    %reduce_min3A_63 = vector.multi_reduction <minimumf>, %add3A_61, %reduce_min3A_62 [1] : vector<512x1024xf32> to vector<512xf32>
    %broadcast_in_dim3A_64 = vector.shape_cast %reduce_min3A_63 : vector<512xf32> to vector<512x1xf32>
    %eq3A_65 = vector.broadcast %broadcast_in_dim3A_64 : vector<512x1xf32> to vector<512x1024xf32>
    %eq3A_66 = arith.cmpf oeq, %add3A_61, %eq3A_65 : vector<512x1024xf32>
    %convert_element_type3A_67 = arith.extui %eq3A_66 : vector<512x1024xi1> to vector<512x1024xi32>
    %convert_element_type3A_68 = arith.sitofp %convert_element_type3A_67 : vector<512x1024xi32> to vector<512x1024xf32>
    %swap3A_69 = arith.constant 0 : index
    %swap3A_70 = arith.constant 2048 : index
    %swap3A_71 = vector.load %arg12[%swap3A_69, %swap3A_70] : memref<512x4096xf32, #tpu.memory_space<vmem>>, vector<512x1024xf32>
    tpu.vector_store %arg12[%swap3A_69, %swap3A_70], %convert_element_type3A_68 {strides = array<i32>} : memref<512x4096xf32, #tpu.memory_space<vmem>>, vector<512x1024xf32>,
    %add3A_72 = arith.addf %add3A_49, %broadcast_in_dim3A_64 : vector<512x1xf32>
    %slice3A_73 = vector.extract_strided_slice %mul3A {offsets = [0, 96], sizes = [512, 32], strides = [1, 1]} : vector<512x128xf32> to vector<512x32xf32>
    %reduce_sum3A_74 = arith.constant dense<0.000000e+00> : vector<512xf32>
    %reduce_sum3A_75 = vector.multi_reduction <add>, %slice3A_73, %reduce_sum3A_74 [1] : vector<512x32xf32> to vector<512xf32>
    %broadcast_in_dim3A_76 = vector.shape_cast %reduce_sum3A_75 : vector<512xf32> to vector<512x1xf32>
    %get3A_77 = arith.constant 0 : index
    %get3A_78 = arith.constant 0 : index
    %get3A_79 = vector.load %arg4[%get3A_77, %get3A_78] : memref<1x1024xf32, #tpu.memory_space<vmem>>, vector<1x1024xf32>
    %add3A_80 = vector.broadcast %broadcast_in_dim3A_76 : vector<512x1xf32> to vector<512x1024xf32>
    %add3A_81 = vector.broadcast %get3A_79 : vector<1x1024xf32> to vector<512x1024xf32>
    %add3A_82 = arith.addf %add3A_80, %add3A_81 : vector<512x1024xf32>
    %slice3A_83 = vector.extract_strided_slice %dot_general3A_7 {offsets = [0, 3072], sizes = [512, 1024], strides = [1, 1]} : vector<512x4096xf32> to vector<512x1024xf32>
    %add3A_84 = arith.addf %add3A_82, %slice3A_83 : vector<512x1024xf32>
    %reduce_min3A_85 = arith.constant dense<0x7F800000> : vector<512xf32>
    %reduce_min3A_86 = vector.multi_reduction <minimumf>, %add3A_84, %reduce_min3A_85 [1] : vector<512x1024xf32> to vector<512xf32>
    %broadcast_in_dim3A_87 = vector.shape_cast %reduce_min3A_86 : vector<512xf32> to vector<512x1xf32>
    %eq3A_88 = vector.broadcast %broadcast_in_dim3A_87 : vector<512x1xf32> to vector<512x1024xf32>
    %eq3A_89 = arith.cmpf oeq, %add3A_84, %eq3A_88 : vector<512x1024xf32>
    %convert_element_type3A_90 = arith.extui %eq3A_89 : vector<512x1024xi1> to vector<512x1024xi32>
    %convert_element_type3A_91 = arith.sitofp %convert_element_type3A_90 : vector<512x1024xi32> to vector<512x1024xf32>
    %swap3A_92 = arith.constant 0 : index
    %swap3A_93 = arith.constant 3072 : index
    %swap3A_94 = vector.load %arg12[%swap3A_92, %swap3A_93] : memref<512x4096xf32, #tpu.memory_space<vmem>>, vector<512x1024xf32>
    tpu.vector_store %arg12[%swap3A_92, %swap3A_93], %convert_element_type3A_91 {strides = array<i32>} : memref<512x4096xf32, #tpu.memory_space<vmem>>, vector<512x1024xf32>,
    %add3A_95 = arith.addf %add3A_72, %broadcast_in_dim3A_87 : vector<512x1xf32>
    %get3A_96 = arith.constant 0 : index
    %get3A_97 = arith.constant 0 : index
    %get3A_98 = vector.load %arg12[%get3A_96, %get3A_97] : memref<512x4096xf32, #tpu.memory_space<vmem>>, vector<512x4096xf32>
    %get3A_99 = arith.constant 0 : index
    %get3A_100 = arith.constant 0 : index
    %get3A_101 = vector.load %arg5[%get3A_99, %get3A_100] : memref<4096x16xf32, #tpu.memory_space<vmem>>, vector<4096x16xf32>
    %dot_general3A_102 = arith.constant dense<0.000000e+00> : vector<512x16xf32>
    %dot_general3A_103 = tpu.matmul %get3A_98, %get3A_101, %dot_general3A_102 {dimension_numbers = #tpu.dot_dimension_numbers<[1], [0], [0], [1], [0, 0, 1, 1], [], []>, transpose_lhs_hint = false} : vector<512x4096xf32>, vector<4096x16xf32>, vector<512x16xf32> -> vector<512x16xf32>
    %slice3A_104 = vector.extract_strided_slice %dot_general3A_103 {offsets = [0, 0], sizes = [512, 8], strides = [1, 1]} : vector<512x16xf32> to vector<512x8xf32>
    %swap3A_105 = arith.constant 0 : index
    %swap3A_106 = arith.constant 0 : index
    %swap3A_107 = vector.load %arg13[%swap3A_105, %swap3A_106] : memref<512x8xf32, #tpu.memory_space<vmem>>, vector<512x8xf32>
    tpu.vector_store %arg13[%swap3A_105, %swap3A_106], %slice3A_104 {strides = array<i32>} : memref<512x8xf32, #tpu.memory_space<vmem>>, vector<512x8xf32>,
    %slice3A_108 = vector.extract_strided_slice %dot_general3A_103 {offsets = [0, 8], sizes = [512, 8], strides = [1, 1]} : vector<512x16xf32> to vector<512x8xf32>
    %reduce_sum3A_109 = arith.constant dense<0.000000e+00> : vector<512xf32>
    %reduce_sum3A_110 = vector.multi_reduction <add>, %slice3A_108, %reduce_sum3A_109 [1] : vector<512x8xf32> to vector<512xf32>
    %broadcast_in_dim3A_111 = vector.shape_cast %reduce_sum3A_110 : vector<512xf32> to vector<512x1xf32>
    %reduce_sum3A_112 = vector.shape_cast %broadcast_in_dim3A_111 : vector<512x1xf32> to vector<1x512x1xf32>
    %reduce_sum3A_113 = arith.constant dense<0.000000e+00> : vector<1xf32>
    %reduce_sum3A_114 = vector.multi_reduction <add>, %reduce_sum3A_112, %reduce_sum3A_113 [1, 2] : vector<1x512x1xf32> to vector<1xf32>
    %reduce_sum3A_115 = vector.shape_cast %reduce_sum3A_114 : vector<1xf32> to vector<1x1x1xf32>
    %reduce_sum3A_116 = vector.extract %reduce_sum3A_115[0, 0, 0] : f32 from vector<1x1x1xf32>
    %ne3A = arith.constant 2.048000e+03 : f32
    %ne3A_117 = arith.cmpf one, %reduce_sum3A_116, %ne3A : f32
    %convert_element_type3A_118 = arith.extui %ne3A_117 : i1 to i32
    %cond3A_119 = arith.constant 0 : i32
    %cond3A_120 = arith.cmpi ne, %convert_element_type3A_118, %cond3A_119 : i32
    scf.if %cond3A_120 {
      %iota3A = tpu.iota {dimensions = array<i32: 1>} : vector<512x1024xi32>
      %slice3A_200 = vector.extract_strided_slice %mul3A {offsets = [0, 0], sizes = [512, 32], strides = [1, 1]} : vector<512x128xf32> to vector<512x32xf32>
      %reduce_sum3A_201 = arith.constant dense<0.000000e+00> : vector<512xf32>
      %reduce_sum3A_202 = vector.multi_reduction <add>, %slice3A_200, %reduce_sum3A_201 [1] : vector<512x32xf32> to vector<512xf32>
      %broadcast_in_dim3A_203 = vector.shape_cast %reduce_sum3A_202 : vector<512xf32> to vector<512x1xf32>
      %get3A_204 = arith.constant 0 : index
      %get3A_205 = arith.constant 0 : index
      %get3A_206 = vector.load %arg4[%get3A_204, %get3A_205] : memref<1x1024xf32, #tpu.memory_space<vmem>>, vector<1x1024xf32>
      %add3A_207 = vector.broadcast %broadcast_in_dim3A_203 : vector<512x1xf32> to vector<512x1024xf32>
      %add3A_208 = vector.broadcast %get3A_206 : vector<1x1024xf32> to vector<512x1024xf32>
      %add3A_209 = arith.addf %add3A_207, %add3A_208 : vector<512x1024xf32>
      %slice3A_210 = vector.extract_strided_slice %dot_general3A_7 {offsets = [0, 0], sizes = [512, 1024], strides = [1, 1]} : vector<512x4096xf32> to vector<512x1024xf32>
      %add3A_211 = arith.addf %add3A_209, %slice3A_210 : vector<512x1024xf32>
      %reduce_min3A_212 = arith.constant dense<0x7F800000> : vector<512xf32>
      %reduce_min3A_213 = vector.multi_reduction <minimumf>, %add3A_211, %reduce_min3A_212 [1] : vector<512x1024xf32> to vector<512xf32>
      %broadcast_in_dim3A_214 = vector.shape_cast %reduce_min3A_213 : vector<512xf32> to vector<512x1xf32>
      %eq3A_215 = vector.broadcast %broadcast_in_dim3A_214 : vector<512x1xf32> to vector<512x1024xf32>
      %eq3A_216 = arith.cmpf oeq, %add3A_211, %eq3A_215 : vector<512x1024xf32>
      %jit3A = arith.constant 1024 : i32
      %broadcast_in_dim3A_217 = vector.broadcast %jit3A : i32 to vector<512x1024xi32>
      %select_n3A = arith.select %eq3A_216, %iota3A, %broadcast_in_dim3A_217 : vector<512x1024xi1>, vector<512x1024xi32>
      %reduce_min3A_218 = arith.constant dense<2147483647> : vector<512xi32>
      %reduce_min3A_219 = vector.multi_reduction <minsi>, %select_n3A, %reduce_min3A_218 [1] : vector<512x1024xi32> to vector<512xi32>
      %broadcast_in_dim3A_220 = vector.shape_cast %reduce_min3A_219 : vector<512xi32> to vector<512x1xi32>
      %eq3A_221 = vector.broadcast %broadcast_in_dim3A_220 : vector<512x1xi32> to vector<512x1024xi32>
      %eq3A_222 = arith.cmpi eq, %iota3A, %eq3A_221 : vector<512x1024xi32>
      %convert_element_type3A_223 = arith.extui %eq3A_222 : vector<512x1024xi1> to vector<512x1024xi32>
      %convert_element_type3A_224 = arith.sitofp %convert_element_type3A_223 : vector<512x1024xi32> to vector<512x1024xf32>
      %swap3A_225 = arith.constant 0 : index
      %swap3A_226 = arith.constant 0 : index
      %swap3A_227 = vector.load %arg12[%swap3A_225, %swap3A_226] : memref<512x4096xf32, #tpu.memory_space<vmem>>, vector<512x1024xf32>
      tpu.vector_store %arg12[%swap3A_225, %swap3A_226], %convert_element_type3A_224 {strides = array<i32>} : memref<512x4096xf32, #tpu.memory_space<vmem>>, vector<512x1024xf32>,
      %convert_element_type3A_228 = arith.sitofp %broadcast_in_dim3A_220 : vector<512x1xi32> to vector<512x1xf32>
      %swap3A_229 = arith.constant 0 : index
      %swap3A_230 = arith.constant 0 : index
      %swap3A_231 = vector.load %arg13[%swap3A_229, %swap3A_230] : memref<512x8xf32, #tpu.memory_space<vmem>>, vector<512x1xf32>
      tpu.vector_store %arg13[%swap3A_229, %swap3A_230], %convert_element_type3A_228 {strides = array<i32>} : memref<512x8xf32, #tpu.memory_space<vmem>>, vector<512x1xf32>,
      %broadcast_in_dim3A_232 = arith.constant 0.000000e+00 : f32
      %broadcast_in_dim3A_233 = vector.broadcast %broadcast_in_dim3A_232 : f32 to vector<512x1xf32>
      %swap3A_234 = arith.constant 0 : index
      %swap3A_235 = arith.constant 4 : index
      %swap3A_236 = vector.load %arg13[%swap3A_234, %swap3A_235] : memref<512x8xf32, #tpu.memory_space<vmem>>, vector<512x1xf32>
      tpu.vector_store %arg13[%swap3A_234, %swap3A_235], %broadcast_in_dim3A_233 {strides = array<i32>} : memref<512x8xf32, #tpu.memory_space<vmem>>, vector<512x1xf32>,
      %slice3A_237 = vector.extract_strided_slice %mul3A {offsets = [0, 32], sizes = [512, 32], strides = [1, 1]} : vector<512x128xf32> to vector<512x32xf32>
      %reduce_sum3A_238 = arith.constant dense<0.000000e+00> : vector<512xf32>
      %reduce_sum3A_239 = vector.multi_reduction <add>, %slice3A_237, %reduce_sum3A_238 [1] : vector<512x32xf32> to vector<512xf32>
      %broadcast_in_dim3A_240 = vector.shape_cast %reduce_sum3A_239 : vector<512xf32> to vector<512x1xf32>
      %get3A_241 = arith.constant 0 : index
      %get3A_242 = arith.constant 0 : index
      %get3A_243 = vector.load %arg4[%get3A_241, %get3A_242] : memref<1x1024xf32, #tpu.memory_space<vmem>>, vector<1x1024xf32>
      %add3A_244 = vector.broadcast %broadcast_in_dim3A_240 : vector<512x1xf32> to vector<512x1024xf32>
      %add3A_245 = vector.broadcast %get3A_243 : vector<1x1024xf32> to vector<512x1024xf32>
      %add3A_246 = arith.addf %add3A_244, %add3A_245 : vector<512x1024xf32>
      %slice3A_247 = vector.extract_strided_slice %dot_general3A_7 {offsets = [0, 1024], sizes = [512, 1024], strides = [1, 1]} : vector<512x4096xf32> to vector<512x1024xf32>
      %add3A_248 = arith.addf %add3A_246, %slice3A_247 : vector<512x1024xf32>
      %reduce_min3A_249 = arith.constant dense<0x7F800000> : vector<512xf32>
      %reduce_min3A_250 = vector.multi_reduction <minimumf>, %add3A_248, %reduce_min3A_249 [1] : vector<512x1024xf32> to vector<512xf32>
      %broadcast_in_dim3A_251 = vector.shape_cast %reduce_min3A_250 : vector<512xf32> to vector<512x1xf32>
      %eq3A_252 = vector.broadcast %broadcast_in_dim3A_251 : vector<512x1xf32> to vector<512x1024xf32>
      %eq3A_253 = arith.cmpf oeq, %add3A_248, %eq3A_252 : vector<512x1024xf32>
      %jit3A_254 = arith.constant 1024 : i32
      %broadcast_in_dim3A_255 = vector.broadcast %jit3A_254 : i32 to vector<512x1024xi32>
      %select_n3A_256 = arith.select %eq3A_253, %iota3A, %broadcast_in_dim3A_255 : vector<512x1024xi1>, vector<512x1024xi32>
      %reduce_min3A_257 = arith.constant dense<2147483647> : vector<512xi32>
      %reduce_min3A_258 = vector.multi_reduction <minsi>, %select_n3A_256, %reduce_min3A_257 [1] : vector<512x1024xi32> to vector<512xi32>
      %broadcast_in_dim3A_259 = vector.shape_cast %reduce_min3A_258 : vector<512xi32> to vector<512x1xi32>
      %eq3A_260 = vector.broadcast %broadcast_in_dim3A_259 : vector<512x1xi32> to vector<512x1024xi32>
      %eq3A_261 = arith.cmpi eq, %iota3A, %eq3A_260 : vector<512x1024xi32>
      %convert_element_type3A_262 = arith.extui %eq3A_261 : vector<512x1024xi1> to vector<512x1024xi32>
      %convert_element_type3A_263 = arith.sitofp %convert_element_type3A_262 : vector<512x1024xi32> to vector<512x1024xf32>
      %swap3A_264 = arith.constant 0 : index
      %swap3A_265 = arith.constant 1024 : index
      %swap3A_266 = vector.load %arg12[%swap3A_264, %swap3A_265] : memref<512x4096xf32, #tpu.memory_space<vmem>>, vector<512x1024xf32>
      tpu.vector_store %arg12[%swap3A_264, %swap3A_265], %convert_element_type3A_263 {strides = array<i32>} : memref<512x4096xf32, #tpu.memory_space<vmem>>, vector<512x1024xf32>,
      %convert_element_type3A_267 = arith.sitofp %broadcast_in_dim3A_259 : vector<512x1xi32> to vector<512x1xf32>
      %swap3A_268 = arith.constant 0 : index
      %swap3A_269 = arith.constant 1 : index
      %swap3A_270 = vector.load %arg13[%swap3A_268, %swap3A_269] : memref<512x8xf32, #tpu.memory_space<vmem>>, vector<512x1xf32>
      tpu.vector_store %arg13[%swap3A_268, %swap3A_269], %convert_element_type3A_267 {strides = array<i32>} : memref<512x8xf32, #tpu.memory_space<vmem>>, vector<512x1xf32>,
      %broadcast_in_dim3A_271 = arith.constant 0.000000e+00 : f32
      %broadcast_in_dim3A_272 = vector.broadcast %broadcast_in_dim3A_271 : f32 to vector<512x1xf32>
      %swap3A_273 = arith.constant 0 : index
      %swap3A_274 = arith.constant 5 : index
      %swap3A_275 = vector.load %arg13[%swap3A_273, %swap3A_274] : memref<512x8xf32, #tpu.memory_space<vmem>>, vector<512x1xf32>
      tpu.vector_store %arg13[%swap3A_273, %swap3A_274], %broadcast_in_dim3A_272 {strides = array<i32>} : memref<512x8xf32, #tpu.memory_space<vmem>>, vector<512x1xf32>,
      %slice3A_276 = vector.extract_strided_slice %mul3A {offsets = [0, 64], sizes = [512, 32], strides = [1, 1]} : vector<512x128xf32> to vector<512x32xf32>
      %reduce_sum3A_277 = arith.constant dense<0.000000e+00> : vector<512xf32>
      %reduce_sum3A_278 = vector.multi_reduction <add>, %slice3A_276, %reduce_sum3A_277 [1] : vector<512x32xf32> to vector<512xf32>
      %broadcast_in_dim3A_279 = vector.shape_cast %reduce_sum3A_278 : vector<512xf32> to vector<512x1xf32>
      %get3A_280 = arith.constant 0 : index
      %get3A_281 = arith.constant 0 : index
      %get3A_282 = vector.load %arg4[%get3A_280, %get3A_281] : memref<1x1024xf32, #tpu.memory_space<vmem>>, vector<1x1024xf32>
      %add3A_283 = vector.broadcast %broadcast_in_dim3A_279 : vector<512x1xf32> to vector<512x1024xf32>
      %add3A_284 = vector.broadcast %get3A_282 : vector<1x1024xf32> to vector<512x1024xf32>
      %add3A_285 = arith.addf %add3A_283, %add3A_284 : vector<512x1024xf32>
      %slice3A_286 = vector.extract_strided_slice %dot_general3A_7 {offsets = [0, 2048], sizes = [512, 1024], strides = [1, 1]} : vector<512x4096xf32> to vector<512x1024xf32>
      %add3A_287 = arith.addf %add3A_285, %slice3A_286 : vector<512x1024xf32>
      %reduce_min3A_288 = arith.constant dense<0x7F800000> : vector<512xf32>
      %reduce_min3A_289 = vector.multi_reduction <minimumf>, %add3A_287, %reduce_min3A_288 [1] : vector<512x1024xf32> to vector<512xf32>
      %broadcast_in_dim3A_290 = vector.shape_cast %reduce_min3A_289 : vector<512xf32> to vector<512x1xf32>
      %eq3A_291 = vector.broadcast %broadcast_in_dim3A_290 : vector<512x1xf32> to vector<512x1024xf32>
      %eq3A_292 = arith.cmpf oeq, %add3A_287, %eq3A_291 : vector<512x1024xf32>
      %jit3A_293 = arith.constant 1024 : i32
      %broadcast_in_dim3A_294 = vector.broadcast %jit3A_293 : i32 to vector<512x1024xi32>
      %select_n3A_295 = arith.select %eq3A_292, %iota3A, %broadcast_in_dim3A_294 : vector<512x1024xi1>, vector<512x1024xi32>
      %reduce_min3A_296 = arith.constant dense<2147483647> : vector<512xi32>
      %reduce_min3A_297 = vector.multi_reduction <minsi>, %select_n3A_295, %reduce_min3A_296 [1] : vector<512x1024xi32> to vector<512xi32>
      %broadcast_in_dim3A_298 = vector.shape_cast %reduce_min3A_297 : vector<512xi32> to vector<512x1xi32>
      %eq3A_299 = vector.broadcast %broadcast_in_dim3A_298 : vector<512x1xi32> to vector<512x1024xi32>
      %eq3A_300 = arith.cmpi eq, %iota3A, %eq3A_299 : vector<512x1024xi32>
      %convert_element_type3A_301 = arith.extui %eq3A_300 : vector<512x1024xi1> to vector<512x1024xi32>
      %convert_element_type3A_302 = arith.sitofp %convert_element_type3A_301 : vector<512x1024xi32> to vector<512x1024xf32>
      %swap3A_303 = arith.constant 0 : index
      %swap3A_304 = arith.constant 2048 : index
      %swap3A_305 = vector.load %arg12[%swap3A_303, %swap3A_304] : memref<512x4096xf32, #tpu.memory_space<vmem>>, vector<512x1024xf32>
      tpu.vector_store %arg12[%swap3A_303, %swap3A_304], %convert_element_type3A_302 {strides = array<i32>} : memref<512x4096xf32, #tpu.memory_space<vmem>>, vector<512x1024xf32>,
      %convert_element_type3A_306 = arith.sitofp %broadcast_in_dim3A_298 : vector<512x1xi32> to vector<512x1xf32>
      %swap3A_307 = arith.constant 0 : index
      %swap3A_308 = arith.constant 2 : index
      %swap3A_309 = vector.load %arg13[%swap3A_307, %swap3A_308] : memref<512x8xf32, #tpu.memory_space<vmem>>, vector<512x1xf32>
      tpu.vector_store %arg13[%swap3A_307, %swap3A_308], %convert_element_type3A_306 {strides = array<i32>} : memref<512x8xf32, #tpu.memory_space<vmem>>, vector<512x1xf32>,
      %broadcast_in_dim3A_310 = arith.constant 0.000000e+00 : f32
      %broadcast_in_dim3A_311 = vector.broadcast %broadcast_in_dim3A_310 : f32 to vector<512x1xf32>
      %swap3A_312 = arith.constant 0 : index
      %swap3A_313 = arith.constant 6 : index
      %swap3A_314 = vector.load %arg13[%swap3A_312, %swap3A_313] : memref<512x8xf32, #tpu.memory_space<vmem>>, vector<512x1xf32>
      tpu.vector_store %arg13[%swap3A_312, %swap3A_313], %broadcast_in_dim3A_311 {strides = array<i32>} : memref<512x8xf32, #tpu.memory_space<vmem>>, vector<512x1xf32>,
      %slice3A_315 = vector.extract_strided_slice %mul3A {offsets = [0, 96], sizes = [512, 32], strides = [1, 1]} : vector<512x128xf32> to vector<512x32xf32>
      %reduce_sum3A_316 = arith.constant dense<0.000000e+00> : vector<512xf32>
      %reduce_sum3A_317 = vector.multi_reduction <add>, %slice3A_315, %reduce_sum3A_316 [1] : vector<512x32xf32> to vector<512xf32>
      %broadcast_in_dim3A_318 = vector.shape_cast %reduce_sum3A_317 : vector<512xf32> to vector<512x1xf32>
      %get3A_319 = arith.constant 0 : index
      %get3A_320 = arith.constant 0 : index
      %get3A_321 = vector.load %arg4[%get3A_319, %get3A_320] : memref<1x1024xf32, #tpu.memory_space<vmem>>, vector<1x1024xf32>
      %add3A_322 = vector.broadcast %broadcast_in_dim3A_318 : vector<512x1xf32> to vector<512x1024xf32>
      %add3A_323 = vector.broadcast %get3A_321 : vector<1x1024xf32> to vector<512x1024xf32>
      %add3A_324 = arith.addf %add3A_322, %add3A_323 : vector<512x1024xf32>
      %slice3A_325 = vector.extract_strided_slice %dot_general3A_7 {offsets = [0, 3072], sizes = [512, 1024], strides = [1, 1]} : vector<512x4096xf32> to vector<512x1024xf32>
      %add3A_326 = arith.addf %add3A_324, %slice3A_325 : vector<512x1024xf32>
      %reduce_min3A_327 = arith.constant dense<0x7F800000> : vector<512xf32>
      %reduce_min3A_328 = vector.multi_reduction <minimumf>, %add3A_326, %reduce_min3A_327 [1] : vector<512x1024xf32> to vector<512xf32>
      %broadcast_in_dim3A_329 = vector.shape_cast %reduce_min3A_328 : vector<512xf32> to vector<512x1xf32>
      %eq3A_330 = vector.broadcast %broadcast_in_dim3A_329 : vector<512x1xf32> to vector<512x1024xf32>
      %eq3A_331 = arith.cmpf oeq, %add3A_326, %eq3A_330 : vector<512x1024xf32>
      %jit3A_332 = arith.constant 1024 : i32
      %broadcast_in_dim3A_333 = vector.broadcast %jit3A_332 : i32 to vector<512x1024xi32>
      %select_n3A_334 = arith.select %eq3A_331, %iota3A, %broadcast_in_dim3A_333 : vector<512x1024xi1>, vector<512x1024xi32>
      %reduce_min3A_335 = arith.constant dense<2147483647> : vector<512xi32>
      %reduce_min3A_336 = vector.multi_reduction <minsi>, %select_n3A_334, %reduce_min3A_335 [1] : vector<512x1024xi32> to vector<512xi32>
      %broadcast_in_dim3A_337 = vector.shape_cast %reduce_min3A_336 : vector<512xi32> to vector<512x1xi32>
      %eq3A_338 = vector.broadcast %broadcast_in_dim3A_337 : vector<512x1xi32> to vector<512x1024xi32>
      %eq3A_339 = arith.cmpi eq, %iota3A, %eq3A_338 : vector<512x1024xi32>
      %convert_element_type3A_340 = arith.extui %eq3A_339 : vector<512x1024xi1> to vector<512x1024xi32>
      %convert_element_type3A_341 = arith.sitofp %convert_element_type3A_340 : vector<512x1024xi32> to vector<512x1024xf32>
      %swap3A_342 = arith.constant 0 : index
      %swap3A_343 = arith.constant 3072 : index
      %swap3A_344 = vector.load %arg12[%swap3A_342, %swap3A_343] : memref<512x4096xf32, #tpu.memory_space<vmem>>, vector<512x1024xf32>
      tpu.vector_store %arg12[%swap3A_342, %swap3A_343], %convert_element_type3A_341 {strides = array<i32>} : memref<512x4096xf32, #tpu.memory_space<vmem>>, vector<512x1024xf32>,
      %convert_element_type3A_345 = arith.sitofp %broadcast_in_dim3A_337 : vector<512x1xi32> to vector<512x1xf32>
      %swap3A_346 = arith.constant 0 : index
      %swap3A_347 = arith.constant 3 : index
      %swap3A_348 = vector.load %arg13[%swap3A_346, %swap3A_347] : memref<512x8xf32, #tpu.memory_space<vmem>>, vector<512x1xf32>
      tpu.vector_store %arg13[%swap3A_346, %swap3A_347], %convert_element_type3A_345 {strides = array<i32>} : memref<512x8xf32, #tpu.memory_space<vmem>>, vector<512x1xf32>,
      %broadcast_in_dim3A_349 = arith.constant 0.000000e+00 : f32
      %broadcast_in_dim3A_350 = vector.broadcast %broadcast_in_dim3A_349 : f32 to vector<512x1xf32>
      %swap3A_351 = arith.constant 0 : index
      %swap3A_352 = arith.constant 7 : index
      %swap3A_353 = vector.load %arg13[%swap3A_351, %swap3A_352] : memref<512x8xf32, #tpu.memory_space<vmem>>, vector<512x1xf32>
      tpu.vector_store %arg13[%swap3A_351, %swap3A_352], %broadcast_in_dim3A_350 {strides = array<i32>} : memref<512x8xf32, #tpu.memory_space<vmem>>, vector<512x1xf32>,
    } else {
    }
    %get3A_121 = arith.constant 0 : index
    %get3A_122 = arith.constant 0 : index
    %get3A_123 = vector.load %arg12[%get3A_121, %get3A_122] : memref<512x4096xf32, #tpu.memory_space<vmem>>, vector<512x4096xf32>
    %get3A_124 = arith.constant 0 : index
    %get3A_125 = arith.constant 0 : index
    %get3A_126 = vector.load %arg13[%get3A_124, %get3A_125] : memref<512x8xf32, #tpu.memory_space<vmem>>, vector<512x1xf32>
    %get3A_127 = arith.constant 0 : index
    %get3A_128 = arith.constant 4 : index
    %get3A_129 = vector.load %arg13[%get3A_127, %get3A_128] : memref<512x8xf32, #tpu.memory_space<vmem>>, vector<512x1xf32>
    %add3A_130 = arith.addf %get3A_126, %get3A_129 : vector<512x1xf32>
    %get3A_131 = arith.constant 0 : index
    %get3A_132 = arith.constant 1 : index
    %get3A_133 = vector.load %arg13[%get3A_131, %get3A_132] : memref<512x8xf32, #tpu.memory_space<vmem>>, vector<512x1xf32>
    %get3A_134 = arith.constant 0 : index
    %get3A_135 = arith.constant 5 : index
    %get3A_136 = vector.load %arg13[%get3A_134, %get3A_135] : memref<512x8xf32, #tpu.memory_space<vmem>>, vector<512x1xf32>
    %add3A_137 = arith.addf %get3A_133, %get3A_136 : vector<512x1xf32>
    %get3A_138 = arith.constant 0 : index
    %get3A_139 = arith.constant 2 : index
    %get3A_140 = vector.load %arg13[%get3A_138, %get3A_139] : memref<512x8xf32, #tpu.memory_space<vmem>>, vector<512x1xf32>
    %get3A_141 = arith.constant 0 : index
    %get3A_142 = arith.constant 6 : index
    %get3A_143 = vector.load %arg13[%get3A_141, %get3A_142] : memref<512x8xf32, #tpu.memory_space<vmem>>, vector<512x1xf32>
    %add3A_144 = arith.addf %get3A_140, %get3A_143 : vector<512x1xf32>
    %get3A_145 = arith.constant 0 : index
    %get3A_146 = arith.constant 3 : index
    %get3A_147 = vector.load %arg13[%get3A_145, %get3A_146] : memref<512x8xf32, #tpu.memory_space<vmem>>, vector<512x1xf32>
    %get3A_148 = arith.constant 0 : index
    %get3A_149 = arith.constant 7 : index
    %get3A_150 = vector.load %arg13[%get3A_148, %get3A_149] : memref<512x8xf32, #tpu.memory_space<vmem>>, vector<512x1xf32>
    %add3A_151 = arith.addf %get3A_147, %get3A_150 : vector<512x1xf32>
    %broadcast_in_dim3A_152 = arith.constant 1.000000e+00 : f32
    %broadcast_in_dim3A_153 = vector.broadcast %broadcast_in_dim3A_152 : f32 to vector<8x512xf32>
    %dot_general3A_154 = arith.constant dense<0.000000e+00> : vector<8x4096xf32>
    %dot_general3A_155 = tpu.matmul %broadcast_in_dim3A_153, %get3A_123, %dot_general3A_154 {dimension_numbers = #tpu.dot_dimension_numbers<[1], [0], [0], [1], [0, 0, 1, 1], [], []>, transpose_lhs_hint = false} : vector<8x512xf32>, vector<512x4096xf32>, vector<8x4096xf32> -> vector<8x4096xf32>
    %slice3A_156 = vector.extract_strided_slice %dot_general3A_155 {offsets = [0, 0], sizes = [1, 1024], strides = [1, 1]} : vector<8x4096xf32> to vector<1x1024xf32>
    %slice3A_157 = vector.extract_strided_slice %dot_general3A_155 {offsets = [0, 1024], sizes = [1, 1024], strides = [1, 1]} : vector<8x4096xf32> to vector<1x1024xf32>
    %add3A_158 = arith.addf %slice3A_156, %slice3A_157 : vector<1x1024xf32>
    %slice3A_159 = vector.extract_strided_slice %dot_general3A_155 {offsets = [0, 2048], sizes = [1, 1024], strides = [1, 1]} : vector<8x4096xf32> to vector<1x1024xf32>
    %add3A_160 = arith.addf %add3A_158, %slice3A_159 : vector<1x1024xf32>
    %slice3A_161 = vector.extract_strided_slice %dot_general3A_155 {offsets = [0, 3072], sizes = [1, 1024], strides = [1, 1]} : vector<8x4096xf32> to vector<1x1024xf32>
    %add3A_162 = arith.addf %add3A_160, %slice3A_161 : vector<1x1024xf32>
    %get3A_163 = arith.constant 0 : index
    %get3A_164 = arith.constant 0 : index
    %get3A_165 = vector.load %arg11[%get3A_163, %get3A_164] : memref<4096x6xf32, #tpu.memory_space<vmem>>, vector<4096x6xf32>
    %dot_general3A_166 = arith.constant dense<0.000000e+00> : vector<512x6xf32>
    %dot_general3A_167 = tpu.matmul %get3A_123, %get3A_165, %dot_general3A_166 {dimension_numbers = #tpu.dot_dimension_numbers<[1], [0], [0], [1], [0, 0, 1, 1], [], []>, transpose_lhs_hint = false} : vector<512x4096xf32>, vector<4096x6xf32>, vector<512x6xf32> -> vector<512x6xf32>
    %slice3A_168 = vector.extract_strided_slice %dot_general3A_167 {offsets = [0, 0], sizes = [512, 3], strides = [1, 1]} : vector<512x6xf32> to vector<512x3xf32>
    %slice3A_169 = vector.extract_strided_slice %dot_general3A_167 {offsets = [0, 3], sizes = [512, 3], strides = [1, 1]} : vector<512x6xf32> to vector<512x3xf32>
    %add3A_170 = arith.addf %slice3A_168, %slice3A_169 : vector<512x3xf32>
    %broadcast_in_dim3A_171 = arith.constant 0.000000e+00 : f32
    %broadcast_in_dim3A_172 = vector.broadcast %broadcast_in_dim3A_171 : f32 to vector<512x1xf32>
    %concatenate3A = tpu.concatenate %add3A_170, %broadcast_in_dim3A_172, %add3A_130, %add3A_137, %add3A_144, %add3A_151 in 1 : vector<512x3xf32>, vector<512x1xf32>, vector<512x1xf32>, vector<512x1xf32>, vector<512x1xf32>, vector<512x1xf32> -> vector<512x8xf32>
    %swap3A_173 = arith.constant 0 : index
    %swap3A_174 = arith.constant 0 : index
    %swap3A_175 = vector.load %arg7[%swap3A_173, %swap3A_174] : memref<512x8xf32, #tpu.memory_space<vmem>>, vector<512x8xf32>
    tpu.vector_store %arg7[%swap3A_173, %swap3A_174], %concatenate3A {strides = array<i32>} : memref<512x8xf32, #tpu.memory_space<vmem>>, vector<512x8xf32>,
    %get3A_176 = arith.constant 0 : index
    %get3A_177 = arith.constant 0 : index
    %get3A_178 = memref.load %arg14[%get3A_176, %get3A_177] : memref<1x1xf32, #tpu.memory_space<smem>>
    %reduce_sum3A_179 = vector.shape_cast %add3A_95 : vector<512x1xf32> to vector<1x512x1xf32>
    %reduce_sum3A_180 = arith.constant dense<0.000000e+00> : vector<1xf32>
    %reduce_sum3A_181 = vector.multi_reduction <add>, %reduce_sum3A_179, %reduce_sum3A_180 [1, 2] : vector<1x512x1xf32> to vector<1xf32>
    %reduce_sum3A_182 = vector.shape_cast %reduce_sum3A_181 : vector<1xf32> to vector<1x1x1xf32>
    %reduce_sum3A_183 = vector.extract %reduce_sum3A_182[0, 0, 0] : f32 from vector<1x1x1xf32>
    %add3A_184 = arith.addf %get3A_178, %reduce_sum3A_183 : f32
    %swap3A_185 = arith.constant 0 : index
    %swap3A_186 = arith.constant 0 : index
    %swap3A_187 = memref.load %arg14[%swap3A_185, %swap3A_186] : memref<1x1xf32, #tpu.memory_space<smem>>
    memref.store %add3A_184, %arg14[%swap3A_185, %swap3A_186] : memref<1x1xf32, #tpu.memory_space<smem>>
    %get3A_188 = arith.constant 0 : index
    %get3A_189 = arith.constant 0 : index
    %get3A_190 = vector.load %arg10[%get3A_188, %get3A_189] : memref<1x1024xf32, #tpu.memory_space<vmem>>, vector<1x1024xf32>
    %add3A_191 = arith.addf %get3A_190, %add3A_162 : vector<1x1024xf32>
    %swap3A_192 = arith.constant 0 : index
    %swap3A_193 = arith.constant 0 : index
    %swap3A_194 = vector.load %arg10[%swap3A_192, %swap3A_193] : memref<1x1024xf32, #tpu.memory_space<vmem>>, vector<1x1024xf32>
    tpu.vector_store %arg10[%swap3A_192, %swap3A_193], %add3A_191 {strides = array<i32>} : memref<1x1024xf32, #tpu.memory_space<vmem>>, vector<1x1024xf32>,
    %eq3A_195 = arith.constant 31 : i32
    %eq3A_196 = arith.cmpi eq, %arg0, %eq3A_195 : i32
    %convert_element_type3A_197 = arith.extui %eq3A_196 : i1 to i32
    %cond3A_198 = arith.constant 0 : i32
    %cond3A_199 = arith.cmpi ne, %convert_element_type3A_197, %cond3A_198 : i32
    scf.if %cond3A_199 {
      %get3A_200 = arith.constant 0 : index
      %get3A_201 = arith.constant 0 : index
      %get3A_202 = memref.load %arg14[%get3A_200, %get3A_201] : memref<1x1xf32, #tpu.memory_space<smem>>
      %mul3A_203 = arith.constant 1.250000e+00 : f32
      %mul3A_204 = arith.mulf %mul3A_203, %get3A_202 : f32
      %div3A = arith.constant 0x4A000000 : f32
      %div3A_205 = arith.divf %mul3A_204, %div3A : f32
      %broadcast_in_dim3A_206 = vector.broadcast %div3A_205 : f32 to vector<1x1xf32>
      %swap3A_207 = arith.constant 0 : index
      %swap3A_208 = arith.constant 0 : index
      %swap3A_209 = vector.load %arg8[%swap3A_207, %swap3A_208] : memref<1x1xf32, #tpu.memory_space<vmem>>, vector<1x1xf32>
      tpu.vector_store %arg8[%swap3A_207, %swap3A_208], %broadcast_in_dim3A_206 {strides = array<i32>} : memref<1x1xf32, #tpu.memory_space<vmem>>, vector<1x1xf32>,
      %get3A_210 = arith.constant 0 : index
      %get3A_211 = arith.constant 0 : index
      %get3A_212 = vector.load %arg10[%get3A_210, %get3A_211] : memref<1x1024xf32, #tpu.memory_space<vmem>>, vector<1x1024xf32>
      %div3A_213 = arith.constant 6.553600e+04 : f32
      %div3A_214 = vector.broadcast %div3A_213 : f32 to vector<1x1024xf32>
      %div3A_215 = arith.divf %get3A_212, %div3A_214 : vector<1x1024xf32>
      %add3A_216 = arith.constant 1.000000e-10 : f32
      %add3A_217 = vector.broadcast %add3A_216 : f32 to vector<1x1024xf32>
      %add3A_218 = arith.addf %div3A_215, %add3A_217 : vector<1x1024xf32>
      %log3A = math.log %add3A_218 : vector<1x1024xf32>
      %mul3A_219 = arith.mulf %div3A_215, %log3A : vector<1x1024xf32>
      %reduce_sum3A_220 = arith.constant dense<0.000000e+00> : vector<1xf32>
      %reduce_sum3A_221 = vector.multi_reduction <add>, %mul3A_219, %reduce_sum3A_220 [1] : vector<1x1024xf32> to vector<1xf32>
      %broadcast_in_dim3A_222 = vector.shape_cast %reduce_sum3A_221 : vector<1xf32> to vector<1x1xf32>
      %neg3A = arith.constant 0.000000e+00 : f32
      %neg3A_223 = vector.broadcast %neg3A : f32 to vector<1x1xf32>
      %neg3A_224 = arith.subf %neg3A_223, %broadcast_in_dim3A_222 : vector<1x1xf32>
      %exp3A = math.exp %neg3A_224 : vector<1x1xf32>
      %swap3A_225 = arith.constant 0 : index
      %swap3A_226 = arith.constant 0 : index
      %swap3A_227 = vector.load %arg9[%swap3A_225, %swap3A_226] : memref<1x1xf32, #tpu.memory_space<vmem>>, vector<1x1xf32>
      tpu.vector_store %arg9[%swap3A_225, %swap3A_226], %exp3A {strides = array<i32>} : memref<1x1xf32, #tpu.memory_space<vmem>>, vector<1x1xf32>,
    } else {
    }
    return
  }
  func.func @transform_0(%arg0: i32) -> (i32, i32) {
    %c0_i32 = arith.constant 0 : i32
    %c0_i32_0 = arith.constant 0 : i32
    return %arg0, %c0_i32 : i32, i32
  }
  func.func @transform_1(%arg0: i32) -> (i32, i32) {
    %c0_i32 = arith.constant 0 : i32
    %c0_i32_0 = arith.constant 0 : i32
    %c0_i32_1 = arith.constant 0 : i32
    return %c0_i32, %c0_i32_0 : i32, i32
  }
  func.func @transform_2(%arg0: i32) -> (i32, i32) {
    %c0_i32 = arith.constant 0 : i32
    %c0_i32_0 = arith.constant 0 : i32
    %c0_i32_1 = arith.constant 0 : i32
    return %c0_i32, %c0_i32_0 : i32, i32
  }
  func.func @transform_3(%arg0: i32) -> (i32, i32) {
    %c0_i32 = arith.constant 0 : i32
    %c0_i32_0 = arith.constant 0 : i32
    %c0_i32_1 = arith.constant 0 : i32
    return %c0_i32, %c0_i32_0 : i32, i32
  }
  func.func @transform_4(%arg0: i32) -> (i32, i32) {
    %c0_i32 = arith.constant 0 : i32
    %c0_i32_0 = arith.constant 0 : i32
    %c0_i32_1 = arith.constant 0 : i32
    return %c0_i32, %c0_i32_0 : i32, i32
  }
  func.func @transform_5(%arg0: i32) -> (i32, i32) {
    %c0_i32 = arith.constant 0 : i32
    %c0_i32_0 = arith.constant 0 : i32
    %c0_i32_1 = arith.constant 0 : i32
    return %c0_i32, %c0_i32_0 : i32, i32
  }
  func.func @transform_6(%arg0: i32) -> (i32, i32) {
    %c0_i32 = arith.constant 0 : i32
    %c0_i32_0 = arith.constant 0 : i32
    return %arg0, %c0_i32 : i32, i32
  }
  func.func @transform_7(%arg0: i32) -> (i32, i32) {
    %c0_i32 = arith.constant 0 : i32
    %c0_i32_0 = arith.constant 0 : i32
    %c0_i32_1 = arith.constant 0 : i32
    return %c0_i32, %c0_i32_0 : i32, i32
  }
  func.func @transform_8(%arg0: i32) -> (i32, i32) {
    %c0_i32 = arith.constant 0 : i32
    %c0_i32_0 = arith.constant 0 : i32
    %c0_i32_1 = arith.constant 0 : i32
    return %c0_i32, %c0_i32_0 : i32, i32
  }
}

</mosaic_0001>

<sc_bundles>
// kernel: kernel.4.cloned.1.call-start
scs
__scs_entry_jumppad:
0x0: {  	(pc) =	sbr.rel $0x88, $3  }
0x1: {  	(tag) =	ssettag $0x0;
	lr =	simm.s32 $0x1  }
0x2: {  	[smem:$0x3F9E] =	sst lr;
	_ =	strace $0xD0000000  }
0x3: {  	_ = 	snop  }
0x4: {  	_ = 	snop  }
0x5: {  	_ = 	snop  }
0x6: {  	_ = 	snop  }
0x7: {  	_ = 	snop  }
__scs_overlays_trampoline_lowered:
0x8: {  	[smem:$0x3FAD] =	sst s0  }
0x9: {  	[smem:$0x3FAE] =	sst s1  }
0xa: {  	[smem:$0x3FAF] =	sst s2  }
0xb: {  	[smem:$0x3FB0] =	sst s3  }
0xc: {  	[smem:$0x3FB1] =	sst s4  }
0xd: {  	[smem:$0x3FB2] =	sst s5  }
0xe: {  	[smem:$0x3FB3] =	sst s6  }
0xf: {  	[smem:$0x3FB4] =	sst s7  }
0x10: {  	[smem:$0x3FB5] =	sst s8  }
0x11: {  	[smem:$0x3FB6] =	sst s9;
	s0 =	simm.s32 @!p0 $0x0  }
0x12: {  	s1 =	sld [smem:$0x3F9C];
	s0 =	simm.s32 @p0 $0x1  }
0x13: {  	[smem:$0x3FB7] =	sst s0;
	s0 =	simm.s32 @!p1 $0x0  }
0x14: {  	s2 =	sld [smem:$0x3F9B];
	s0 =	simm.s32 @p1 $0x1  }
0x15: {  	[smem:$0x3FB8] =	sst s0;
	s0 =	simm.s32 @!p2 $0x0  }
0x16: {  	s3 =	sld [smem:$0x3FDB];
	s0 =	simm.s32 @p2 $0x1  }
0x17: {  	s4 =	simm.s32 $0x1BF5;
	[smem:$0x3FBA] =	sst s0  }
0x18: {  	s0 =	sld [smem:$0x3F9D];
	_ =	swait.ge [sflag:s4], $0x0  }
0x19: {  	s7 =	sld [smem:$0x3F9E]  }
0x1a: {  	s8 =	sadd.s32 $0xFFFFE003, lr  }
0x1b: {  	s9 =	sadd.s32 $0xFFFFFEF7, lr;
	s5 =	simm.s32 $0xFFFFFFFF;
	p2 =	slt.u32 s8, $0xFFFFF086  }
0x1c: {  	p1 =	slt.u32 s9, $0xF7A;
	s5 =	simm.s32 @!p2 $0x0  }
0x1d: {  	s5 =	simm.s32 @p1 $0x1;
	p0 =	seq.s32 s7, s2  }
0x1e: {  	s7 =	smul.u32 @!p0 $0xF7A, s2;
	p2 =	seq.s32 @!p0 s5, $0x0  }
0x1f: {  	s9 =	smul.u32 $0xF7A, s1;
	s8 =	simm.s32 @!p0 $0x1BF5;
	p2 =	por !p2, p0  }
0x20: {  	[sflag:s8] =	ssyncset.s32 @!p0 $0xFFFFF086;
	s6 =	sadd.s32 @!p0 s3, s7;
	s7 =	simm.s32 @!p0 $0x108  }
0x21: {  	s3 =	sadd.s32 s3, s9;
	s6 =	sadd.s32 @!p0 $0x88, s6;
	s7 =	simm.s32 @p2 $0x1082  }
0x22: {  	[simem:s7], [sflag:s8] =	dma.local @!p0 [hbm:s6], $0xF7A  }
0x23: {  	s9 =	sor.u32 $0xD0000000, s2;
	s6 =	simm.s32 $0x108;
	_ =	swait.ge @!p0 [sflag:s8], $0x0  }
0x24: {  	s3 =	sadd.s32 $0x88, s3;
	s6 =	simm.s32 @!p1 $0x1082;
	[sflag:s4] =	ssyncset.s32 $0xFFFFF086  }
0x25: {  	[simem:s6], [sflag:s4] =	dma.local [hbm:s3], $0xF7A  }
0x26: {  	[smem:$0x3F9E] =	sst s1;
	(tag) =	ssettag s2;
	_ =	strace s9  }
0x27: {  	s1 =	sld [smem:$0x3FAE]  }
0x28: {  	s2 =	sld [smem:$0x3FAF]  }
0x29: {  	s4 =	sld [smem:$0x3FB1]  }
0x2a: {  	p0 =	seq.s32 s5, $0x0;
	s5 =	sld [smem:$0x3FB2]  }
0x2b: {  	s6 =	sld [smem:$0x3FB3]  }
0x2c: {  	s7 =	sld [smem:$0x3FB4]  }
0x2d: {  	s3 =	simm.s32 $0x108;
	s8 =	sld [smem:$0x3FB5]  }
0x2e: {  	s3 =	simm.s32 @!p0 $0x1082;
	s9 =	sld [smem:$0x3FB6]  }
0x2f: {  	lr =	sadd.s32 s0, s3;
	s0 =	sld [smem:$0x3FAD]  }
0x30: {  	s3 =	sld [smem:$0x3FB0]  }
0x31: {  	[smem:$0x3FB9] =	sst s10  }
0x32: {  	s10 =	sld [smem:$0x3FB7];
	_ =	sdelay $0x3  }
0x33: {  	p0 =	seq.s32 s10, $0x1;
	s10 =	sld [smem:$0x3FB9];
	_ =	sdelay $0x3  }
0x34: {  	[smem:$0x3FB9] =	sst s10  }
0x35: {  	s10 =	sld [smem:$0x3FB8];
	_ =	sdelay $0x3  }
0x36: {  	p1 =	seq.s32 s10, $0x1;
	s10 =	sld [smem:$0x3FB9];
	_ =	sdelay $0x3  }
0x37: {  	[smem:$0x3FB9] =	sst s10  }
0x38: {  	s10 =	sld [smem:$0x3FBA]  }
0x39: {  	_ = 	snop;
	(pc) =	sbr.ind lr, $3  }
0x3a: {  	_ = 	snop  }
0x3b: {  	_ = 	snop  }
0x3c: {  	p2 =	seq.s32 s10, $0x1;
	s10 =	sld [smem:$0x3FB9]  }
0x3d: {  	_ =	shalt  }
0x3e: {  	_ =	shalt  }
0x3f: {  	_ =	shalt  }
0x40: {  	_ =	shalt  }
0x41: {  	_ =	shalt  }
0x42: {  	_ =	shalt  }
0x43: {  	_ =	shalt  }
0x44: {  	_ =	shalt  }
0x45: {  	_ =	shalt  }
0x46: {  	_ =	shalt  }
0x47: {  	_ =	shalt  }
0x48: {  	_ =	shalt  }
0x49: {  	_ =	shalt  }
0x4a: {  	_ =	shalt  }
0x4b: {  	_ =	shalt  }
0x4c: {  	_ =	shalt  }
0x4d: {  	_ =	shalt  }
0x4e: {  	_ =	shalt  }
0x4f: {  	_ =	shalt  }
0x50: {  	_ =	shalt  }
0x51: {  	_ =	shalt  }
0x52: {  	_ =	shalt  }
0x53: {  	_ =	shalt  }
0x54: {  	_ =	shalt  }
0x55: {  	_ =	shalt  }
0x56: {  	_ =	shalt  }
0x57: {  	_ =	shalt  }
0x58: {  	_ =	shalt  }
0x59: {  	_ =	shalt  }
0x5a: {  	_ =	shalt  }
0x5b: {  	_ =	shalt  }
0x5c: {  	_ =	shalt  }
0x5d: {  	_ =	shalt  }
0x5e: {  	_ =	shalt  }
0x5f: {  	_ =	shalt  }
0x60: {  	_ =	shalt  }
0x61: {  	_ =	shalt  }
0x62: {  	_ =	shalt  }
0x63: {  	_ =	shalt  }
0x64: {  	_ =	shalt  }
0x65: {  	_ =	shalt  }
0x66: {  	_ =	shalt  }
0x67: {  	_ =	shalt  }
0x68: {  	_ =	shalt  }
0x69: {  	_ =	shalt  }
0x6a: {  	_ =	shalt  }
0x6b: {  	_ =	shalt  }
0x6c: {  	_ =	shalt  }
0x6d: {  	_ =	shalt  }
0x6e: {  	_ =	shalt  }
0x6f: {  	_ =	shalt  }
0x70: {  	_ =	shalt  }
0x71: {  	_ =	shalt  }
0x72: {  	_ =	shalt  }
0x73: {  	_ =	shalt  }
0x74: {  	_ =	shalt  }
0x75: {  	_ =	shalt  }
0x76: {  	_ =	shalt  }
0x77: {  	_ =	shalt  }
0x78: {  	_ =	shalt  }
0x79: {  	_ =	shalt  }
0x7a: {  	_ =	shalt  }
0x7b: {  	_ =	shalt  }
0x7c: {  	_ =	shalt  }
0x7d: {  	_ =	shalt  }
0x7e: {  	_ =	shalt  }
0x7f: {  	_ =	shalt  }
0x80: {  	_ =	shalt  }
0x81: {  	_ =	shalt  }
0x82: {  	_ =	shalt  }
0x83: {  	_ =	shalt  }
0x84: {  	_ =	shalt  }
0x85: {  	_ =	shalt  }
0x86: {  	_ =	shalt  }
0x87: {  	_ =	shalt  }
.Lfunc_end0:
.L_simem_size_0:
called_computation_lowered:
.L_overlay_start_0:
0x88: {  	s2 =	sld [smem:$0x3FD9]  }
0x89: {  	s3 =	sld [smem:$0x3FFE];
	_ =	sdelay $0x1  }
0x8a: {  	s1 =	srdreg.scid  }
0x8b: {  	s0 =	sand.u32 $0x1, s1  }
0x8c: {  	s14 =	sshll.u32 s0, $0xA;
	s2 =	sadd.s32 s3, s2  }
0x8d: {  	s2 =	sadd.s32 s2, s14  }
0x8e: {  	[smem:$0x3FC5] =	sst s2  }
0x8f: {  	_ = 	snop  }
0x90: {  	s2 =	sld [smem:$0x3FD0];
	_ =	sdelay $0x2  }
0x91: {  	s15 =	simm.s32 $0xA;
	s4 =	simm.s32 $0x10  }
0x92: {  	[smem:s4], [sflag:s15] =	dma.local [hbm:s2], $0x1  }
0x93: {  	_ =	swait.eq [sflag:s15], $0x1  }
0x94: {  	[sflag:s15] =	ssyncset.done $0x0  }
0x95: {  	[sflag:s15] =	ssyncadd.s32 $0xFFFFFFFF  }
0x96: {  	s16 =	sld [smem:$0x13];
	(tm) =	ssettm $0x1  }
0x97: {  	s17 =	sld [smem:$0x3FFB];
	_ =	sdelay $0x3  }
0x98: {  	_ =	strace s17  }
0x99: {  	s3 =	sld [smem:$0x3FFC];
	_ =	sdelay $0x3  }
0x9a: {  	_ =	strace s3  }
0x9b: {  	s3 =	sld [smem:$0x3FFD];
	_ =	sdelay $0x3  }
0x9c: {  	_ =	strace s3  }
0x9d: {  	_ =	strace $0x8FFFFFFF  }
0x9e: {  	s18 =	sld [smem:$0x3FDB];
	_ =	sdelay $0x1  }
0x9f: {  	s19 =	simm.s32 $_scs_section_size  }
0xa0: {  	s5 =	simm.s32 $_size__tile_overlayer_lowered;
	s6 =	simm.s32 $_tile_overlayer_lowered  }
0xa1: {  	s22 =	simm.s32 $0x1BFF;
	s21 =	sshll.u32 s6, $0x1;
	s3 =	sadd.s32 s19, s18  }
0xa2: {  	s7 =	simm.s32 $0x0;
	s20 =	sshll.u32 s5, $0x1;
	s5 =	sadd.s32 s21, s3  }
0xa3: {  	[timem:s7], [sflag:s22] =	dma.local [hbm:s5], s20  }
0xa4: {  	_ =	swait.ge [sflag:s22], s20  }
0xa5: {  	s4 =	ssub.s32 $0x0, s20;
	[sflag:s22] =	ssyncset.done $0x0  }
0xa6: {  	[sflag:s22] =	ssyncadd.s32 s4;
	_ =	sdelay $0x1  }
0xa7: {  	s23 =	simm.s32 $0x1B8B  }
0xa8: {  	_ =	swait.ge [sflag:s23], $0x1  }
0xa9: {  	[sflag:s23] =	ssyncset.done $0x0  }
0xaa: {  	s25 =	simm.s32 $0x1B8E;
	s24 =	sld [smem:$0x3FFE];
	[sflag:s23] =	ssyncadd.s32 $0xFFFFFFFF  }
0xab: {  	s26 =	simm.s32 $execute0_lowered;
	[smem:$0x3FD2] =	sst s25  }
0xac: {  	s5 =	sshll.u32 s26, $0x1;
	_ =	strace $0x80000046;
	[dreg:$0x1] =	wrdreg $0xFFFFFFFF  }
0xad: {  	s28 =	simm.s32 $_size_execute0_lowered;
	s3 =	sadd.s32 s3, s5;
	[dreg:$0x0] =	wrdreg $0x0  }
0xae: {  	s5 =	sshll.u32 s28, $0x1;
	[dreg:$0x2] =	wrdreg s3  }
0xaf: {  	[dreg:$0x3] =	wrdreg s5  }
0xb0: {  	[dreg:$0x4] =	wrdreg $0xC0  }
0xb1: {  	_ =	task [dreg:s7], $0x5FFFF  }
0xb2: {  	[dreg:$0x1] =	wrdreg $0xFFFFFFFF  }
0xb3: {  	[dreg:$0x0] =	wrdreg $0x60  }
0xb4: {  	[dreg:$0x2] =	wrdreg s24  }
0xb5: {  	[dreg:$0x3] =	wrdreg s16  }
0xb6: {  	[dreg:$0x4] =	wrdreg $0x9  }
0xb7: {  	_ =	task.clear_ibuf [dreg:s7], $0x5FFFF;
	_ =	strace $0x90000046  }
0xb8: {  	s29 =	simm.s32 $0x9;
	_ =	strace $0x80000048  }
0xb9: {  	_ =	swait.ge [sflag:s29], $0x1  }
0xba: {  	[sflag:s29] =	ssyncadd.s32 $0xFFFFFFFF  }
0xbb: {  	_ =	strace $0x90000048  }
0xbc: {  	_ =	sfence  }
0xbd: {  	s30 =	sld [smem:$0x0];
	_ =	sdelay $0x2  }
0xbe: {  	s31 =	sshll.u32 s1, $0xD;
	s1 =	sshrl.u32 s1, $0x2  }
0xbf: {  	s3 =	sand.u32 $0x4000, s31;
	s1 =	sadd.s32 s1, s30  }
0xc0: {  	s0 =	sor.u32 s3, s0;
	s1 =	sshll.u32 s1, $0x11  }
0xc1: {  	s0 =	sor.u32 s1, s0  }
0xc2: {  	s0 =	sadd.s32 $0x8F2B, s0  }
0xc3: {  	[sflag:s0] =	ssyncadd.remote.s32 $0x1  }
0xc4: {  	_ =	sfence.sel $0xFFFF  }
0xc5: {  	[dreg:$0x0] =	wrdreg $0xFFFFFFFF;
	(pc) =	sbr.abs _section_cstart, $3  }
0xc6: {  	[dreg:$0x1] =	wrdreg $0xFFFFFFFF  }
0xc7: {  	_ =	task.clear_ibuf [dreg:s7], $0x2FFFF;
	_ =	strace $0x9FFFFFFF  }
0xc8: {  	(tm) =	ssettm $0x7FFFFFFF  }
0xc9: {  	_ =	shalt  }
tec
execute0_lowered:
.L_overlay_start_1:
0x0: {  	(tag) =	ssettag $0x1  }
0x1: {  	s1 =	srdreg.scid  }
0x2: {  	s0 =	stileid.u32;
	s3 =	rddreg [dreg:$0x0]  }
0x3: {  	s5 =	rddreg [dreg:$0x1];
	s20 =	simm.s32 $0x1800;
	s21 =	simm.s32 $0x100  }
0x4: {  	s23 =	simm.s32 $0x2800;
	s24 =	simm.s32 $0x180;
	s25 =	simm.s32 $0x3800  }
0x5: {  	s26 =	simm.s32 $0x200;
	s7 =	simm.s32 $0x80;
	s11 =	simm.s32 $0x300  }
0x6: {  	s12 =	simm.s32 $0x6800;
	s13 =	simm.s32 $0x380;
	s14 =	simm.s32 $0x7800  }
0x7: {  	s15 =	simm.s32 $0x400;
	s16 =	simm.s32 $0x8800;
	s17 =	simm.s32 $0x480  }
0x8: {  	s18 =	simm.s32 $0x9800;
	s19 =	simm.s32 $0x500;
	s1 =	sand.u32 $0x1, s1  }
0x9: {  	p0 =	por $0x0, $0x0;
	s2 =	sshll.u32 s0, $0xC;
	s4 =	sshll.u32 s1, $0xB  }
0xa: {  	s28 =	simm.s32 $0x700;
	s4 =	sor.u32 s4, s2;
	s2 =	simm.s32 $0x0  }
0xb: {  	s29 =	simm.s32 $0xE800;
	s30 =	simm.s32 $0x780;
	[smem:$0x7FF] =	sst s2  }
0xc: {  	s1 =	ssub.s32 $0x2, s1;
	_ =	strace $0x80000047;
	[dreg:$0x5] =	wrdreg s20  }
0xd: {  	s31 =	simm.s32 $0xF800;
	s22 =	sshrl.u32 s1, $0x1;
	[dreg:$0x6] =	wrdreg s21  }
0xe: {  	s6 =	sshrl.u32 s4, $0x3;
	s4 =	sshll.u32 s4, $0x2;
	[dreg:$0x7] =	wrdreg s23  }
0xf: {  	s1 =	ssub.s32 s1, s22;
	s22 =	simm.s32 $0xB800;
	[dreg:$0x8] =	wrdreg s24  }
0x10: {  	s6 =	sadd.s32 s6, s3;
	s1 =	smax.u32 s1, $0x1;
	[dreg:$0x9] =	wrdreg s25  }
0x11: {  	s4 =	sadd.s32 s5, s4;
	[dreg:$0xa] =	wrdreg s26;
	p1 =	sne.s32 s1, $0x1  }
.Ltmp0:
0x12: {  	s20 =	simm.s32 $0xA800;
	s21 =	simm.s32 $0x580;
	(pc) =	sbr.rel @!p1 .LBB2_3-.Ltmp0, $4  }
0x13: {  	s23 =	simm.s32 $0x600;
	s24 =	simm.s32 $0xC800;
	s25 =	simm.s32 $0x680  }
0x14: {  	s26 =	simm.s32 $0xD800;
	s5 =	simm.s32 $0x1;
	s6 =	sadd.s32 $0x1800, s6  }
0x15: {  	[dreg:$0x4] =	wrdreg s4;
	s4 =	simm.s32 $0x800;
	s8 =	sadd.s32 $0xFFFFFFFF, s1  }
0x16: {  	[dreg:$0x3] =	wrdreg s6;
	s6 =	sadd.s32 $0x800, s3;
	s3 =	simm.s32 $0x2  }
0x17: {  	s0 =	rddreg [dreg:$0x3]  }
0x18: {  	[tilespmem:s2], [sflag:$0x2] =	stream.linear.gather [hbm4b:s0+s2], $0x800, $0x38;
	[tilespmem:$0x10800] =	vst v63  }
0x19: {  	_ =	swait.ge [sflag:s3], $0x800  }
0x1a: {  	s10 =	rddreg [dreg:$0x6]  }
0x1b: {  	s1 =	rddreg [dreg:$0x5]  }
0x1c: {  	s0 =	rddreg [dreg:$0x7]  }
0x1d: {  	[sflag:s3] =	ssyncset.done $0x0;
	[dreg:$0xb] =	wrdreg s10  }
0x1e: {  	[sflag:s3] =	ssyncadd.s32 $0xFFFFF800;
	s10 =	rddreg [dreg:$0x9]  }
0x1f: {  	[tilespmem:s4], [sflag:$0x1] =	stream.indirect.gather [hbm4b:s6+s7], $0x20, s2, s7, $0xb8;
	[tilespmem:$0x10800] =	vst v63  }
0x20: {  	[dreg:$0xc] =	wrdreg s10  }
0x21: {  	s10 =	rddreg [dreg:$0xb]  }
0x22: {  	[tilespmem:s1], [sflag:$0x1] =	stream.indirect.gather [hbm4b:s6+s7], $0x20, s7, s7, $0xb8;
	[tilespmem:$0x10800] =	vst v63  }
0x23: {  	s1 =	rddreg [dreg:$0x8]  }
0x24: {  	[tilespmem:s0], [sflag:$0x1] =	stream.indirect.gather [hbm4b:s6+s7], $0x20, s10, s7, $0xb8;
	[tilespmem:$0x10800] =	vst v63  }
0x25: {  	s10 =	rddreg [dreg:$0xc]  }
0x26: {  	[tilespmem:s10], [sflag:$0x1] =	stream.indirect.gather [hbm4b:s6+s7], $0x20, s1, s7, $0xb8;
	[tilespmem:$0x10800] =	vst v63  }
0x27: {  	s9 =	simm.s32 $0x4800;
	s0 =	rddreg [dreg:$0xa]  }
0x28: {  	[tilespmem:s9], [sflag:$0x1] =	stream.indirect.gather [hbm4b:s6+s7], $0x20, s0, s7, $0xb8;
	[tilespmem:$0x10800] =	vst v63  }
0x29: {  	s1 =	simm.s32 $0x280;
	s9 =	simm.s32 $0x5800  }
0x2a: {  	[tilespmem:s9], [sflag:$0x1] =	stream.indirect.gather [hbm4b:s6+s7], $0x20, s1, s7, $0xb8;
	[tilespmem:$0x10800] =	vst v63  }
0x2b: {  	_ = 	snop  }
0x2c: {  	[tilespmem:s12], [sflag:$0x1] =	stream.indirect.gather [hbm4b:s6+s7], $0x20, s11, s7, $0xb8;
	[tilespmem:$0x10800] =	vst v63  }
0x2d: {  	_ = 	snop  }
0x2e: {  	[tilespmem:s14], [sflag:$0x1] =	stream.indirect.gather [hbm4b:s6+s7], $0x20, s13, s7, $0xb8;
	[tilespmem:$0x10800] =	vst v63  }
0x2f: {  	_ = 	snop  }
0x30: {  	[tilespmem:s16], [sflag:$0x1] =	stream.indirect.gather [hbm4b:s6+s7], $0x20, s15, s7, $0xb8;
	[tilespmem:$0x10800] =	vst v63  }
0x31: {  	_ = 	snop  }
0x32: {  	[tilespmem:s18], [sflag:$0x1] =	stream.indirect.gather [hbm4b:s6+s7], $0x20, s17, s7, $0xb8;
	[tilespmem:$0x10800] =	vst v63  }
0x33: {  	_ = 	snop  }
0x34: {  	[tilespmem:s20], [sflag:$0x1] =	stream.indirect.gather [hbm4b:s6+s7], $0x20, s19, s7, $0xb8;
	[tilespmem:$0x10800] =	vst v63  }
0x35: {  	_ = 	snop  }
0x36: {  	[tilespmem:s22], [sflag:$0x1] =	stream.indirect.gather [hbm4b:s6+s7], $0x20, s21, s7, $0xb8;
	[tilespmem:$0x10800] =	vst v63  }
0x37: {  	_ = 	snop  }
0x38: {  	[tilespmem:s24], [sflag:$0x1] =	stream.indirect.gather [hbm4b:s6+s7], $0x20, s23, s7, $0xb8;
	[tilespmem:$0x10800] =	vst v63  }
0x39: {  	_ = 	snop  }
0x3a: {  	[tilespmem:s26], [sflag:$0x1] =	stream.indirect.gather [hbm4b:s6+s7], $0x20, s25, s7, $0xb8;
	[tilespmem:$0x10800] =	vst v63  }
0x3b: {  	_ = 	snop  }
0x3c: {  	[tilespmem:s29], [sflag:$0x1] =	stream.indirect.gather [hbm4b:s6+s7], $0x20, s28, s7, $0xb8;
	[tilespmem:$0x10800] =	vst v63  }
0x3d: {  	_ = 	snop  }
0x3e: {  	[tilespmem:s31], [sflag:$0x1] =	stream.indirect.gather [hbm4b:s6+s7], $0x20, s30, s7, $0xb8;
	[tilespmem:$0x10800] =	vst v63  }
0x3f: {  	_ =	swait.ge [sflag:s5], $0x1000  }
0x40: {  	[sflag:s5] =	ssyncset.done $0x0  }
0x41: {  	[sflag:s5] =	ssyncadd.s32 $0xFFFFF000  }
0x42: {  	_ =	swait.ge [sflag:s5], $0x1000  }
0x43: {  	[sflag:s5] =	ssyncset.done $0x0  }
0x44: {  	[sflag:s5] =	ssyncadd.s32 $0xFFFFF000  }
0x45: {  	_ =	swait.ge [sflag:s5], $0x1000  }
0x46: {  	[sflag:s5] =	ssyncset.done $0x0  }
0x47: {  	[sflag:s5] =	ssyncadd.s32 $0xFFFFF000  }
0x48: {  	_ =	swait.ge [sflag:s5], $0x1000  }
0x49: {  	[sflag:s5] =	ssyncset.done $0x0  }
0x4a: {  	[sflag:s5] =	ssyncadd.s32 $0xFFFFF000  }
0x4b: {  	_ =	swait.ge [sflag:s5], $0x1000  }
0x4c: {  	[sflag:s5] =	ssyncset.done $0x0  }
0x4d: {  	[sflag:s5] =	ssyncadd.s32 $0xFFFFF000  }
0x4e: {  	_ =	swait.ge [sflag:s5], $0x1000  }
0x4f: {  	[sflag:s5] =	ssyncset.done $0x0  }
0x50: {  	[sflag:s5] =	ssyncadd.s32 $0xFFFFF000  }
0x51: {  	_ =	swait.ge [sflag:s5], $0x1000  }
0x52: {  	[sflag:s5] =	ssyncset.done $0x0  }
0x53: {  	[sflag:s5] =	ssyncadd.s32 $0xFFFFF000  }
0x54: {  	_ =	swait.ge [sflag:s5], $0x1000  }
0x55: {  	[sflag:s5] =	ssyncset.done $0x0  }
0x56: {  	[sflag:s5] =	ssyncadd.s32 $0xFFFFF000  }
0x57: {  	_ =	swait.ge [sflag:s5], $0x1000  }
0x58: {  	[sflag:s5] =	ssyncset.done $0x0  }
0x59: {  	[sflag:s5] =	ssyncadd.s32 $0xFFFFF000  }
0x5a: {  	_ =	swait.ge [sflag:s5], $0x1000  }
0x5b: {  	[sflag:s5] =	ssyncset.done $0x0  }
0x5c: {  	[sflag:s5] =	ssyncadd.s32 $0xFFFFF000  }
0x5d: {  	_ =	swait.ge [sflag:s5], $0x1000  }
0x5e: {  	[sflag:s5] =	ssyncset.done $0x0  }
0x5f: {  	[sflag:s5] =	ssyncadd.s32 $0xFFFFF000  }
0x60: {  	_ =	swait.ge [sflag:s5], $0x1000  }
0x61: {  	[sflag:s5] =	ssyncset.done $0x0  }
0x62: {  	[sflag:s5] =	ssyncadd.s32 $0xFFFFF000  }
0x63: {  	_ =	swait.ge [sflag:s5], $0x1000  }
0x64: {  	[sflag:s5] =	ssyncset.done $0x0  }
0x65: {  	[sflag:s5] =	ssyncadd.s32 $0xFFFFF000  }
0x66: {  	_ =	swait.ge [sflag:s5], $0x1000  }
0x67: {  	[sflag:s5] =	ssyncset.done $0x0  }
0x68: {  	[sflag:s5] =	ssyncadd.s32 $0xFFFFF000  }
0x69: {  	_ =	swait.ge [sflag:s5], $0x1000  }
0x6a: {  	p1 =	sne.s32 s8, $0x1;
	[sflag:s5] =	ssyncset.done $0x0  }
.Ltmp1:
0x6b: {  	[sflag:s5] =	ssyncadd.s32 $0xFFFFF000;
	(pc) =	sbr.rel @!p1 .LBB2_3-.Ltmp1, $4  }
0x6c: {  	_ =	swait.ge [sflag:s5], $0x1000  }
0x6d: {  	p0 =	por $0x1, $0x1;
	[sflag:s5] =	ssyncset.done $0x0  }
0x6e: {  	s1 =	sadd.s32 $0xFFFFFFFF, s8;
	s10 =	rddreg [dreg:$0x4];
	[sflag:s5] =	ssyncadd.s32 $0xFFFFF000  }
0x6f: {  	[hbm4b:s10+s2] =	stream.linear.scatter [tilespmem:s4], [sflag:$0x2], $0x10000, $0x38;
	[tilespmem:$0x10800] =	vst v63  }
.LBB2_2:
0x70: {  	_ =	swait.ge [sflag:s3], $0x10000  }
0x71: {  	[sflag:s3] =	ssyncset.done $0x0  }
0x72: {  	s0 =	rddreg [dreg:$0x3];
	[sflag:s3] =	ssyncadd.s32 $0xFFFF0000  }
0x73: {  	[tilespmem:s2], [sflag:$0x2] =	stream.linear.gather [hbm4b:s0+s2], $0x800, $0x38;
	[tilespmem:$0x10800] =	vst v63  }
0x74: {  	_ =	swait.ge [sflag:s3], $0x800  }
0x75: {  	s0 =	rddreg [dreg:$0x6];
	[sflag:s3] =	ssyncset.done $0x0  }
0x76: {  	s8 =	rddreg [dreg:$0x5];
	[sflag:s3] =	ssyncadd.s32 $0xFFFFF800  }
0x77: {  	[tilespmem:s4], [sflag:$0x1] =	stream.indirect.gather [hbm4b:s6+s7], $0x20, s2, s7, $0xb8;
	[tilespmem:$0x10800] =	vst v63  }
0x78: {  	s9 =	rddreg [dreg:$0x7]  }
0x79: {  	[tilespmem:s8], [sflag:$0x1] =	stream.indirect.gather [hbm4b:s6+s7], $0x20, s7, s7, $0xb8;
	[tilespmem:$0x10800] =	vst v63  }
0x7a: {  	s10 =	rddreg [dreg:$0x9]  }
0x7b: {  	[tilespmem:s9], [sflag:$0x1] =	stream.indirect.gather [hbm4b:s6+s7], $0x20, s0, s7, $0xb8;
	[tilespmem:$0x10800] =	vst v63  }
0x7c: {  	s8 =	rddreg [dreg:$0x8]  }
0x7d: {  	[tilespmem:s10], [sflag:$0x1] =	stream.indirect.gather [hbm4b:s6+s7], $0x20, s8, s7, $0xb8;
	[tilespmem:$0x10800] =	vst v63  }
0x7e: {  	s0 =	rddreg [dreg:$0xa];
	s8 =	simm.s32 $0x4800  }
0x7f: {  	[tilespmem:s8], [sflag:$0x1] =	stream.indirect.gather [hbm4b:s6+s7], $0x20, s0, s7, $0xb8;
	[tilespmem:$0x10800] =	vst v63  }
0x80: {  	s9 =	simm.s32 $0x280;
	s10 =	simm.s32 $0x5800  }
0x81: {  	[tilespmem:s10], [sflag:$0x1] =	stream.indirect.gather [hbm4b:s6+s7], $0x20, s9, s7, $0xb8;
	[tilespmem:$0x10800] =	vst v63  }
0x82: {  	_ = 	snop  }
0x83: {  	[tilespmem:s12], [sflag:$0x1] =	stream.indirect.gather [hbm4b:s6+s7], $0x20, s11, s7, $0xb8;
	[tilespmem:$0x10800] =	vst v63  }
0x84: {  	_ = 	snop  }
0x85: {  	[tilespmem:s14], [sflag:$0x1] =	stream.indirect.gather [hbm4b:s6+s7], $0x20, s13, s7, $0xb8;
	[tilespmem:$0x10800] =	vst v63  }
0x86: {  	_ = 	snop  }
0x87: {  	[tilespmem:s16], [sflag:$0x1] =	stream.indirect.gather [hbm4b:s6+s7], $0x20, s15, s7, $0xb8;
	[tilespmem:$0x10800] =	vst v63  }
0x88: {  	_ = 	snop  }
0x89: {  	[tilespmem:s18], [sflag:$0x1] =	stream.indirect.gather [hbm4b:s6+s7], $0x20, s17, s7, $0xb8;
	[tilespmem:$0x10800] =	vst v63  }
0x8a: {  	_ = 	snop  }
0x8b: {  	[tilespmem:s20], [sflag:$0x1] =	stream.indirect.gather [hbm4b:s6+s7], $0x20, s19, s7, $0xb8;
	[tilespmem:$0x10800] =	vst v63  }
0x8c: {  	_ = 	snop  }
0x8d: {  	[tilespmem:s22], [sflag:$0x1] =	stream.indirect.gather [hbm4b:s6+s7], $0x20, s21, s7, $0xb8;
	[tilespmem:$0x10800] =	vst v63  }
0x8e: {  	_ = 	snop  }
0x8f: {  	[tilespmem:s24], [sflag:$0x1] =	stream.indirect.gather [hbm4b:s6+s7], $0x20, s23, s7, $0xb8;
	[tilespmem:$0x10800] =	vst v63  }
0x90: {  	_ = 	snop  }
0x91: {  	[tilespmem:s26], [sflag:$0x1] =	stream.indirect.gather [hbm4b:s6+s7], $0x20, s25, s7, $0xb8;
	[tilespmem:$0x10800] =	vst v63  }
0x92: {  	_ = 	snop  }
0x93: {  	[tilespmem:s29], [sflag:$0x1] =	stream.indirect.gather [hbm4b:s6+s7], $0x20, s28, s7, $0xb8;
	[tilespmem:$0x10800] =	vst v63  }
0x94: {  	_ = 	snop  }
0x95: {  	[tilespmem:s31], [sflag:$0x1] =	stream.indirect.gather [hbm4b:s6+s7], $0x20, s30, s7, $0xb8;
	[tilespmem:$0x10800] =	vst v63  }
0x96: {  	_ =	swait.ge [sflag:s5], $0x1000  }
0x97: {  	[sflag:s5] =	ssyncset.done $0x0  }
0x98: {  	[sflag:s5] =	ssyncadd.s32 $0xFFFFF000  }
0x99: {  	_ =	swait.ge [sflag:s5], $0x1000  }
0x9a: {  	[sflag:s5] =	ssyncset.done $0x0  }
0x9b: {  	[sflag:s5] =	ssyncadd.s32 $0xFFFFF000  }
0x9c: {  	_ =	swait.ge [sflag:s5], $0x1000  }
0x9d: {  	[sflag:s5] =	ssyncset.done $0x0  }
0x9e: {  	[sflag:s5] =	ssyncadd.s32 $0xFFFFF000  }
0x9f: {  	_ =	swait.ge [sflag:s5], $0x1000  }
0xa0: {  	[sflag:s5] =	ssyncset.done $0x0  }
0xa1: {  	[sflag:s5] =	ssyncadd.s32 $0xFFFFF000  }
0xa2: {  	_ =	swait.ge [sflag:s5], $0x1000  }
0xa3: {  	[sflag:s5] =	ssyncset.done $0x0  }
0xa4: {  	[sflag:s5] =	ssyncadd.s32 $0xFFFFF000  }
0xa5: {  	_ =	swait.ge [sflag:s5], $0x1000  }
0xa6: {  	[sflag:s5] =	ssyncset.done $0x0  }
0xa7: {  	[sflag:s5] =	ssyncadd.s32 $0xFFFFF000  }
0xa8: {  	_ =	swait.ge [sflag:s5], $0x1000  }
0xa9: {  	[sflag:s5] =	ssyncset.done $0x0  }
0xaa: {  	[sflag:s5] =	ssyncadd.s32 $0xFFFFF000  }
0xab: {  	_ =	swait.ge [sflag:s5], $0x1000  }
0xac: {  	[sflag:s5] =	ssyncset.done $0x0  }
0xad: {  	[sflag:s5] =	ssyncadd.s32 $0xFFFFF000  }
0xae: {  	_ =	swait.ge [sflag:s5], $0x1000  }
0xaf: {  	[sflag:s5] =	ssyncset.done $0x0  }
0xb0: {  	[sflag:s5] =	ssyncadd.s32 $0xFFFFF000  }
0xb1: {  	_ =	swait.ge [sflag:s5], $0x1000  }
0xb2: {  	[sflag:s5] =	ssyncset.done $0x0  }
0xb3: {  	[sflag:s5] =	ssyncadd.s32 $0xFFFFF000  }
0xb4: {  	_ =	swait.ge [sflag:s5], $0x1000  }
0xb5: {  	[sflag:s5] =	ssyncset.done $0x0  }
0xb6: {  	[sflag:s5] =	ssyncadd.s32 $0xFFFFF000  }
0xb7: {  	_ =	swait.ge [sflag:s5], $0x1000  }
0xb8: {  	[sflag:s5] =	ssyncset.done $0x0  }
0xb9: {  	[sflag:s5] =	ssyncadd.s32 $0xFFFFF000  }
0xba: {  	_ =	swait.ge [sflag:s5], $0x1000  }
0xbb: {  	[sflag:s5] =	ssyncset.done $0x0  }
0xbc: {  	[sflag:s5] =	ssyncadd.s32 $0xFFFFF000  }
0xbd: {  	_ =	swait.ge [sflag:s5], $0x1000  }
0xbe: {  	[sflag:s5] =	ssyncset.done $0x0  }
0xbf: {  	[sflag:s5] =	ssyncadd.s32 $0xFFFFF000  }
0xc0: {  	_ =	swait.ge [sflag:s5], $0x1000  }
0xc1: {  	p1 =	sne.s32 s1, $0x1;
	[sflag:s5] =	ssyncset.done $0x0  }
.Ltmp2:
0xc2: {  	[sflag:s5] =	ssyncadd.s32 $0xFFFFF000;
	(pc) =	sbr.rel @p1 .LBB2_2-.Ltmp2, $4  }
0xc3: {  	_ =	swait.ge [sflag:s5], $0x1000  }
0xc4: {  	[sflag:s5] =	ssyncset.done $0x0  }
0xc5: {  	s1 =	sadd.s32 $0xFFFFFFFF, s1;
	s10 =	rddreg [dreg:$0x4];
	[sflag:s5] =	ssyncadd.s32 $0xFFFFF000  }
0xc6: {  	[hbm4b:s10+s2] =	stream.linear.scatter [tilespmem:s4], [sflag:$0x2], $0x10000, $0x38;
	[tilespmem:$0x10800] =	vst v63  }
.LBB2_3:
0xc7: {  	_ =	swait.ge @p0 [sflag:s3], $0x10000  }
0xc8: {  	[sflag:s3] =	ssyncset.done @p0 $0x0  }
0xc9: {  	s0 =	rddreg [dreg:$0x3];
	[sflag:s3] =	ssyncadd.s32 @p0 $0xFFFF0000  }
0xca: {  	[tilespmem:s2], [sflag:$0x2] =	stream.linear.gather [hbm4b:s0+s2], $0x800, $0x38;
	[tilespmem:$0x10800] =	vst v63  }
0xcb: {  	_ =	swait.ge [sflag:s3], $0x800  }
0xcc: {  	[sflag:s3] =	ssyncset.done $0x0;
	s10 =	rddreg [dreg:$0x5]  }
0xcd: {  	s0 =	rddreg [dreg:$0x6];
	[sflag:s3] =	ssyncadd.s32 $0xFFFFF800  }
0xce: {  	[tilespmem:s4], [sflag:$0x1] =	stream.indirect.gather [hbm4b:s6+s7], $0x20, s2, s7, $0xb8;
	[tilespmem:$0x10800] =	vst v63  }
0xcf: {  	s1 =	rddreg [dreg:$0x7]  }
0xd0: {  	[tilespmem:s10], [sflag:$0x1] =	stream.indirect.gather [hbm4b:s6+s7], $0x20, s7, s7, $0xb8;
	[tilespmem:$0x10800] =	vst v63  }
0xd1: {  	s8 =	rddreg [dreg:$0x9]  }
0xd2: {  	[tilespmem:s1], [sflag:$0x1] =	stream.indirect.gather [hbm4b:s6+s7], $0x20, s0, s7, $0xb8;
	[tilespmem:$0x10800] =	vst v63  }
0xd3: {  	s9 =	rddreg [dreg:$0x8]  }
0xd4: {  	[tilespmem:s8], [sflag:$0x1] =	stream.indirect.gather [hbm4b:s6+s7], $0x20, s9, s7, $0xb8;
	[tilespmem:$0x10800] =	vst v63  }
0xd5: {  	s10 =	simm.s32 $0x4800;
	s1 =	rddreg [dreg:$0xa]  }
0xd6: {  	[tilespmem:s10], [sflag:$0x1] =	stream.indirect.gather [hbm4b:s6+s7], $0x20, s1, s7, $0xb8;
	[tilespmem:$0x10800] =	vst v63  }
0xd7: {  	s9 =	simm.s32 $0x5800;
	s10 =	simm.s32 $0x280  }
0xd8: {  	[tilespmem:s9], [sflag:$0x1] =	stream.indirect.gather [hbm4b:s6+s7], $0x20, s10, s7, $0xb8;
	[tilespmem:$0x10800] =	vst v63  }
0xd9: {  	_ = 	snop  }
0xda: {  	[tilespmem:s12], [sflag:$0x1] =	stream.indirect.gather [hbm4b:s6+s7], $0x20, s11, s7, $0xb8;
	[tilespmem:$0x10800] =	vst v63  }
0xdb: {  	_ = 	snop  }
0xdc: {  	[tilespmem:s14], [sflag:$0x1] =	stream.indirect.gather [hbm4b:s6+s7], $0x20, s13, s7, $0xb8;
	[tilespmem:$0x10800] =	vst v63  }
0xdd: {  	_ = 	snop  }
0xde: {  	[tilespmem:s16], [sflag:$0x1] =	stream.indirect.gather [hbm4b:s6+s7], $0x20, s15, s7, $0xb8;
	[tilespmem:$0x10800] =	vst v63  }
0xdf: {  	_ = 	snop  }
0xe0: {  	[tilespmem:s18], [sflag:$0x1] =	stream.indirect.gather [hbm4b:s6+s7], $0x20, s17, s7, $0xb8;
	[tilespmem:$0x10800] =	vst v63  }
0xe1: {  	_ = 	snop  }
0xe2: {  	[tilespmem:s20], [sflag:$0x1] =	stream.indirect.gather [hbm4b:s6+s7], $0x20, s19, s7, $0xb8;
	[tilespmem:$0x10800] =	vst v63  }
0xe3: {  	_ = 	snop  }
0xe4: {  	[tilespmem:s22], [sflag:$0x1] =	stream.indirect.gather [hbm4b:s6+s7], $0x20, s21, s7, $0xb8;
	[tilespmem:$0x10800] =	vst v63  }
0xe5: {  	_ = 	snop  }
0xe6: {  	[tilespmem:s24], [sflag:$0x1] =	stream.indirect.gather [hbm4b:s6+s7], $0x20, s23, s7, $0xb8;
	[tilespmem:$0x10800] =	vst v63  }
0xe7: {  	_ = 	snop  }
0xe8: {  	[tilespmem:s26], [sflag:$0x1] =	stream.indirect.gather [hbm4b:s6+s7], $0x20, s25, s7, $0xb8;
	[tilespmem:$0x10800] =	vst v63  }
0xe9: {  	_ = 	snop  }
0xea: {  	[tilespmem:s29], [sflag:$0x1] =	stream.indirect.gather [hbm4b:s6+s7], $0x20, s28, s7, $0xb8;
	[tilespmem:$0x10800] =	vst v63  }
0xeb: {  	_ = 	snop  }
0xec: {  	[tilespmem:s31], [sflag:$0x1] =	stream.indirect.gather [hbm4b:s6+s7], $0x20, s30, s7, $0xb8;
	[tilespmem:$0x10800] =	vst v63  }
0xed: {  	_ =	swait.ge [sflag:s5], $0x1000  }
0xee: {  	[sflag:s5] =	ssyncset.done $0x0  }
0xef: {  	[sflag:s5] =	ssyncadd.s32 $0xFFFFF000  }
0xf0: {  	_ =	swait.ge [sflag:s5], $0x1000  }
0xf1: {  	[sflag:s5] =	ssyncset.done $0x0  }
0xf2: {  	[sflag:s5] =	ssyncadd.s32 $0xFFFFF000  }
0xf3: {  	_ =	swait.ge [sflag:s5], $0x1000  }
0xf4: {  	[sflag:s5] =	ssyncset.done $0x0  }
0xf5: {  	[sflag:s5] =	ssyncadd.s32 $0xFFFFF000  }
0xf6: {  	_ =	swait.ge [sflag:s5], $0x1000  }
0xf7: {  	[sflag:s5] =	ssyncset.done $0x0  }
0xf8: {  	[sflag:s5] =	ssyncadd.s32 $0xFFFFF000  }
0xf9: {  	_ =	swait.ge [sflag:s5], $0x1000  }
0xfa: {  	[sflag:s5] =	ssyncset.done $0x0  }
0xfb: {  	[sflag:s5] =	ssyncadd.s32 $0xFFFFF000  }
0xfc: {  	_ =	swait.ge [sflag:s5], $0x1000  }
0xfd: {  	[sflag:s5] =	ssyncset.done $0x0  }
0xfe: {  	[sflag:s5] =	ssyncadd.s32 $0xFFFFF000  }
0xff: {  	_ =	swait.ge [sflag:s5], $0x1000  }
0x100: {  	[sflag:s5] =	ssyncset.done $0x0  }
0x101: {  	[sflag:s5] =	ssyncadd.s32 $0xFFFFF000  }
0x102: {  	_ =	swait.ge [sflag:s5], $0x1000  }
0x103: {  	[sflag:s5] =	ssyncset.done $0x0  }
0x104: {  	[sflag:s5] =	ssyncadd.s32 $0xFFFFF000  }
0x105: {  	_ =	swait.ge [sflag:s5], $0x1000  }
0x106: {  	[sflag:s5] =	ssyncset.done $0x0  }
0x107: {  	[sflag:s5] =	ssyncadd.s32 $0xFFFFF000  }
0x108: {  	_ =	swait.ge [sflag:s5], $0x1000  }
0x109: {  	[sflag:s5] =	ssyncset.done $0x0  }
0x10a: {  	[sflag:s5] =	ssyncadd.s32 $0xFFFFF000  }
0x10b: {  	_ =	swait.ge [sflag:s5], $0x1000  }
0x10c: {  	[sflag:s5] =	ssyncset.done $0x0  }
0x10d: {  	[sflag:s5] =	ssyncadd.s32 $0xFFFFF000  }
0x10e: {  	_ =	swait.ge [sflag:s5], $0x1000  }
0x10f: {  	[sflag:s5] =	ssyncset.done $0x0  }
0x110: {  	[sflag:s5] =	ssyncadd.s32 $0xFFFFF000  }
0x111: {  	_ =	swait.ge [sflag:s5], $0x1000  }
0x112: {  	[sflag:s5] =	ssyncset.done $0x0  }
0x113: {  	[sflag:s5] =	ssyncadd.s32 $0xFFFFF000  }
0x114: {  	_ =	swait.ge [sflag:s5], $0x1000  }
0x115: {  	[sflag:s5] =	ssyncset.done $0x0  }
0x116: {  	[sflag:s5] =	ssyncadd.s32 $0xFFFFF000  }
0x117: {  	_ =	swait.ge [sflag:s5], $0x1000  }
0x118: {  	[sflag:s5] =	ssyncset.done $0x0  }
0x119: {  	[sflag:s5] =	ssyncadd.s32 $0xFFFFF000  }
0x11a: {  	_ =	swait.ge [sflag:s5], $0x1000  }
0x11b: {  	[sflag:s5] =	ssyncset.done $0x0  }
0x11c: {  	s30 =	rddreg [dreg:$0x4];
	[sflag:s5] =	ssyncadd.s32 $0xFFFFF000  }
0x11d: {  	[hbm4b:s30+s2] =	stream.linear.scatter [tilespmem:s4], [sflag:$0x2], $0x10000, $0x38;
	[tilespmem:$0x10800] =	vst v63  }
0x11e: {  	_ =	swait.ge [sflag:s3], $0x10000  }
0x11f: {  	[sflag:s3] =	ssyncset.done $0x0  }
0x120: {  	[sflag:s3] =	ssyncadd.s32 $0xFFFF0000  }
0x121: {  	_ =	sfence.sel $0x180000  }
0x122: {  	[bflag:$0x0] =	sbarrier.arrive $0xFFFF  }
0x123: {  	_ =	strace $0x90000047  }
0x124: {  	s31 =	stileid.u32;
	[bflag:$0x2] =	sbarrier.arrive $0xFFFF  }
0x125: {  	p0 =	sne.s32 s31, $0x0;
	s0 =	rddreg [dreg:$0x2]  }
0x126: {  	s0 =	sadd.s32 @!p0 $0x100000, s0  }
0x127: {  	[sflag:s0] =	ssyncadd.tile.s32 @!p0 $0x1;
	_ =	shalt  }
.Lfunc_end2:
_tile_overlayer_lowered:
.L_overlay_start_2:
0x128: {  	(tag) =	ssettag $0x2  }
0x129: {  	s0 =	rddreg [dreg:$0x0];
	s2 =	stileid.u32  }
0x12a: {  	s1 =	rddreg [dreg:$0x1];
	p0 =	sne.s32 s2, $0x0  }
0x12b: {  	s3 =	rddreg [dreg:$0x2];
	[bflag:$0x3] =	sbarrier.arrive $0xFFFF;
	s2 =	simm.s32 @!p0 $0x1C02  }
0x12c: {  	[timem:s3], [sflag:s2] =	dma.local @!p0 [hbm:s0], s1  }
0x12d: {  	s0 =	simm.s32 @!p0 $0x2  }
0x12e: {  	_ =	swait.ge @!p0 [sflag:s0], s1  }
0x12f: {  	s1 =	ssub.s32 @!p0 $0x0, s1;
	[sflag:s0] =	ssyncset.done @!p0 $0x0  }
0x130: {  	[sflag:s0] =	ssyncadd.s32 @!p0 s1  }
0x131: {  	[bflag:$0x3] =	sbarrier.arrive $0xFFFF  }
0x132: {  	_ =	shalt  }

</sc_bundles>
